<compile_context>
chip_gen: v7x
topology: tpu7x:2x2x1
jax: 0.10.2.dev20260603
libtpu: 0.0.44.dev20260713+nightly
codegen_flags: <defaults>
</compile_context>

<pallas_src>
import functools

import jax
import jax.numpy as jnp
from jax import lax
from jax.experimental import pallas as pl
from jax.experimental.pallas import tpu as pltpu
from jax.experimental.pallas import tpu_sc as plsc

_B, _C, _N = 8, 256, 16384
_M = 4096
_L = 16
_NC, _NS = 2, 16
_NW = _NC * _NS
_R = _B * _C
_RPW = _R // _NW
_NBUF = 4


@functools.partial(
    pl.kernel,
    out_type=jax.ShapeDtypeStruct((_R, _M), jnp.float32),
    mesh=plsc.VectorSubcoreMesh(core_axis_name="c", subcore_axis_name="s"),
    compiler_params=pltpu.CompilerParams(needs_layout_passes=False),
    scratch_types=[
        pltpu.VMEM((_M,), jnp.int32),
        pltpu.VMEM((_N,), jnp.float32),
        pltpu.VMEM((_N,), jnp.float32),
        pltpu.VMEM((_N,), jnp.float32),
        pltpu.VMEM((_N,), jnp.float32),
        pltpu.VMEM((_M,), jnp.float32),
        pltpu.VMEM((_M,), jnp.float32),
        pltpu.VMEM((_M,), jnp.float32),
        pltpu.VMEM((_M,), jnp.float32),
        pltpu.SemaphoreType.DMA,
        pltpu.SemaphoreType.DMA,
        pltpu.SemaphoreType.DMA,
        pltpu.SemaphoreType.DMA,
        pltpu.SemaphoreType.DMA,
        pltpu.SemaphoreType.DMA,
        pltpu.SemaphoreType.DMA,
        pltpu.SemaphoreType.DMA,
    ],
)
def _gather_rows(feat_hbm, idx_hbm, out_hbm, idx_v, fv0, fv1, fv2, fv3,
                 ov0, ov1, ov2, ov3, fs0, fs1, fs2, fs3, os0, os1, os2, os3):
    fv = (fv0, fv1, fv2, fv3)
    ov = (ov0, ov1, ov2, ov3)
    fsem = (fs0, fs1, fs2, fs3)
    osem = (os0, os1, os2, os3)
    wid = lax.axis_index("s") * _NC + lax.axis_index("c")

    def row_of(t):
        return (t // 8) * _C + lax.rem(t, 8) * _NW + wid

    pltpu.sync_copy(idx_hbm.at[0], idx_v)

    for k in range(_NBUF):
        pltpu.async_copy(feat_hbm.at[row_of(jnp.int32(k))], fv[k], fsem[k])

    def group_body(g, carry):
        t0 = g * _NBUF

        @pl.when(lax.rem(g, 2) == 0)
        def _load_idx():
            pltpu.sync_copy(idx_hbm.at[t0 // 8], idx_v)

        for k in range(_NBUF):
            t = t0 + k
            r = row_of(t)
            pltpu.make_async_copy(feat_hbm.at[r], fv[k], fsem[k]).wait()

            @pl.when(t >= _NBUF)
            def _wait_out():
                pltpu.make_async_copy(ov[k], out_hbm.at[r], osem[k]).wait()

            @plsc.parallel_loop(0, _M, step=_L, unroll=8)
            def _gather(j):
                iv = idx_v[pl.ds(j, _L)]
                ov[k][pl.ds(j, _L)] = plsc.load_gather(fv[k], [iv])

            pltpu.async_copy(ov[k], out_hbm.at[r], osem[k])

            @pl.when(t + _NBUF < _RPW)
            def _prefetch():
                pltpu.async_copy(feat_hbm.at[row_of(t + _NBUF)], fv[k], fsem[k])
        return carry

    lax.fori_loop(0, _RPW // _NBUF, group_body, 0)

    for k in range(_NBUF):
        pltpu.make_async_copy(ov[k], out_hbm.at[0], osem[k]).wait()


def kernel(features, idx):
    feat2d = features.reshape(_R, _N)
    out2d = _gather_rows(feat2d, idx)
    return out2d.reshape(_B, _C, _M)

# --- scband reference (transcript-rebuilt; emitter-appended) ---
"""Pipeline reference for scband-gather-operation-16346645529141 (READ-ONLY COPY).

The authoritative reference and input builder live on the scoring server;
editing this copy changes nothing except your own understanding.
"""

import jax, jax.numpy as jnp
import numpy as np


def setup_inputs(seed: int = 0) -> dict:
    key = jax.random.key(seed)
    k1, k2 = jax.random.split(key)
    features = jax.random.normal(k1, (8, 256, 16384), dtype=jnp.float32)
    idx = jax.random.randint(k2, (8, 4096), 0, 16384, dtype=jnp.int32)
    return {"features": features, "idx": idx}


def reference(features, idx):
    # Faithful translation of gather_points: torch.gather(points, 2, idx_expand)
    B, C, N = features.shape
    M = idx.shape[1]
    idx_expand = jnp.broadcast_to(idx[:, None, :], (B, C, M))
    out = jnp.take_along_axis(features, idx_expand, axis=2)
    return out

if __name__ == "__main__":
    import jax
    _d = setup_inputs()
    print(jax.jit(kernel)(*tuple(_d.values())))

</pallas_src>

<mosaic_0001>
#map = affine_map<(d0, d1) -> (0, 0)>
module attributes {stable_mosaic.version = 14 : i64} {
  func.func @_gather_rows(%arg0: i32, %arg1: i32, %arg2: memref<2048x16384xf32, #tpu.memory_space<hbm>>, %arg3: memref<8x4096xi32, #tpu.memory_space<hbm>>, %arg4: memref<2048x4096xf32, #tpu.memory_space<hbm>>, %arg5: memref<4096xi32, #tpu.memory_space<vmem>>, %arg6: memref<16384xf32, #tpu.memory_space<vmem>>, %arg7: memref<16384xf32, #tpu.memory_space<vmem>>, %arg8: memref<16384xf32, #tpu.memory_space<vmem>>, %arg9: memref<16384xf32, #tpu.memory_space<vmem>>, %arg10: memref<4096xf32, #tpu.memory_space<vmem>>, %arg11: memref<4096xf32, #tpu.memory_space<vmem>>, %arg12: memref<4096xf32, #tpu.memory_space<vmem>>, %arg13: memref<4096xf32, #tpu.memory_space<vmem>>, %arg14: memref<!tpu.dma_semaphore, #tpu.memory_space<semaphore_mem>>, %arg15: memref<!tpu.dma_semaphore, #tpu.memory_space<semaphore_mem>>, %arg16: memref<!tpu.dma_semaphore, #tpu.memory_space<semaphore_mem>>, %arg17: memref<!tpu.dma_semaphore, #tpu.memory_space<semaphore_mem>>, %arg18: memref<!tpu.dma_semaphore, #tpu.memory_space<semaphore_mem>>, %arg19: memref<!tpu.dma_semaphore, #tpu.memory_space<semaphore_mem>>, %arg20: memref<!tpu.dma_semaphore, #tpu.memory_space<semaphore_mem>>, %arg21: memref<!tpu.dma_semaphore, #tpu.memory_space<semaphore_mem>>) attributes {dimension_semantics = [#tpu.dimension_semantics<core_parallel>, #tpu.dimension_semantics<subcore_parallel>], iteration_bounds = array<i64: 2, 16>, scalar_prefetch = 0 : i64, scratch_operands = 17 : i64, tpu.core_type = #tpu.core_type<sc_vector_subcore>, window_params = [{transform_indices = #map}, {transform_indices = #map}, {transform_indices = #map}]} {
    %mul3A = arith.constant 2 : i32
    %mul3A_0 = arith.muli %arg1, %mul3A : i32
    %add3A = arith.addi %mul3A_0, %arg0 : i32
    %run_scoped3A = arith.constant 0 : i32
    "tpu.region"() ({
      %run_scoped3A_184 = tpu.sem_alloc : memref<!tpu.dma_semaphore, #tpu.memory_space<semaphore_mem>>
      %dma_start3A_185 = arith.constant 0 : i32
      %dma_start3A_186 = tpu.memref_slice %arg3[%run_scoped3A, %dma_start3A_185] : memref<8x4096xi32, #tpu.memory_space<hbm>> -> memref<1x4096xi32, #tpu.memory_space<hbm>>
      %dma_start3A_187 = tpu.memref_squeeze %dma_start3A_186 : memref<1x4096xi32, #tpu.memory_space<hbm>> -> memref<4096xi32, #tpu.memory_space<hbm>>
      %dma_start3A_188 = arith.constant 0 : i32
      %dma_start3A_189 = tpu.memref_slice %arg3[%run_scoped3A, %dma_start3A_188] : memref<8x4096xi32, #tpu.memory_space<hbm>> -> memref<1x4096xi32, #tpu.memory_space<hbm>>
      %dma_start3A_190 = tpu.memref_squeeze %dma_start3A_189 : memref<1x4096xi32, #tpu.memory_space<hbm>> -> memref<4096xi32, #tpu.memory_space<hbm>>
      tpu.enqueue_dma source(%dma_start3A_190 : memref<4096xi32, #tpu.memory_space<hbm>>) target(%arg5 : memref<4096xi32, #tpu.memory_space<vmem>>) target_semaphore(%run_scoped3A_184 : memref<!tpu.dma_semaphore, #tpu.memory_space<semaphore_mem>>)
      %dma_wait3A_191 = arith.constant 0 : i32
      %dma_wait3A_192 = tpu.memref_slice %arg3[%run_scoped3A, %dma_wait3A_191] : memref<8x4096xi32, #tpu.memory_space<hbm>> -> memref<1x4096xi32, #tpu.memory_space<hbm>>
      %dma_wait3A_193 = tpu.memref_squeeze %dma_wait3A_192 : memref<1x4096xi32, #tpu.memory_space<hbm>> -> memref<4096xi32, #tpu.memory_space<hbm>>
      %dma_wait3A_194 = arith.constant 0 : i32
      %dma_wait3A_195 = tpu.memref_slice %arg3[%run_scoped3A, %dma_wait3A_194] : memref<8x4096xi32, #tpu.memory_space<hbm>> -> memref<1x4096xi32, #tpu.memory_space<hbm>>
      %dma_wait3A_196 = tpu.memref_squeeze %dma_wait3A_195 : memref<1x4096xi32, #tpu.memory_space<hbm>> -> memref<4096xi32, #tpu.memory_space<hbm>>
      tpu.wait_dma2 semaphore(%run_scoped3A_184 : memref<!tpu.dma_semaphore, #tpu.memory_space<semaphore_mem>>) src(%dma_wait3A_196 : memref<4096xi32, #tpu.memory_space<hbm>>) dst(%arg5 : memref<4096xi32, #tpu.memory_space<vmem>>)
      tpu.yield
    }) : () -> ()
    %jit3A = arith.constant 0 : i32
    %jit3A_1 = arith.constant 8 : i32
    %div3A = arith.divsi %jit3A, %jit3A_1 : i32
    %sign3A = arith.constant 0 : i32
    %sign3A_2 = arith.cmpi sgt, %jit3A, %sign3A : i32
    %sign3A_3 = arith.extui %sign3A_2 : i1 to i32
    %sign3A_4 = arith.constant 0 : i32
    %sign3A_5 = arith.cmpi slt, %jit3A, %sign3A_4 : i32
    %sign3A_6 = arith.extui %sign3A_5 : i1 to i32
    %sign3A_7 = arith.subi %sign3A_3, %sign3A_6 : i32
    %sign3A_8 = arith.constant 0 : i32
    %sign3A_9 = arith.cmpi sgt, %jit3A_1, %sign3A_8 : i32
    %sign3A_10 = arith.extui %sign3A_9 : i1 to i32
    %sign3A_11 = arith.constant 0 : i32
    %sign3A_12 = arith.cmpi slt, %jit3A_1, %sign3A_11 : i32
    %sign3A_13 = arith.extui %sign3A_12 : i1 to i32
    %sign3A_14 = arith.subi %sign3A_10, %sign3A_13 : i32
    %ne3A = arith.cmpi ne, %sign3A_7, %sign3A_14 : i32
    %rem3A = arith.remsi %jit3A, %jit3A_1 : i32
    %ne3A_15 = arith.constant 0 : i32
    %ne3A_16 = arith.cmpi ne, %rem3A, %ne3A_15 : i32
    %and3A = arith.andi %ne3A, %ne3A_16 : i1
    %sub3A = arith.constant 1 : i32
    %sub3A_17 = arith.subi %div3A, %sub3A : i32
    %select_n3A = arith.select %and3A, %sub3A_17, %div3A : i32
    %mul3A_18 = arith.constant 256 : i32
    %mul3A_19 = arith.muli %select_n3A, %mul3A_18 : i32
    %rem3A_20 = arith.constant 0 : i32
    %rem3A_21 = arith.constant 8 : i32
    %rem3A_22 = arith.remsi %rem3A_20, %rem3A_21 : i32
    %mul3A_23 = arith.constant 32 : i32
    %mul3A_24 = arith.muli %rem3A_22, %mul3A_23 : i32
    %add3A_25 = arith.addi %mul3A_19, %mul3A_24 : i32
    %add3A_26 = arith.addi %add3A_25, %add3A : i32
    %dma_start3A = arith.constant 0 : i32
    %dma_start3A_27 = tpu.memref_slice %arg2[%add3A_26, %dma_start3A] : memref<2048x16384xf32, #tpu.memory_space<hbm>> -> memref<1x16384xf32, #tpu.memory_space<hbm>>
    %dma_start3A_28 = tpu.memref_squeeze %dma_start3A_27 : memref<1x16384xf32, #tpu.memory_space<hbm>> -> memref<16384xf32, #tpu.memory_space<hbm>>
    %dma_start3A_29 = arith.constant 0 : i32
    %dma_start3A_30 = tpu.memref_slice %arg2[%add3A_26, %dma_start3A_29] : memref<2048x16384xf32, #tpu.memory_space<hbm>> -> memref<1x16384xf32, #tpu.memory_space<hbm>>
    %dma_start3A_31 = tpu.memref_squeeze %dma_start3A_30 : memref<1x16384xf32, #tpu.memory_space<hbm>> -> memref<16384xf32, #tpu.memory_space<hbm>>
    tpu.enqueue_dma source(%dma_start3A_31 : memref<16384xf32, #tpu.memory_space<hbm>>) target(%arg6 : memref<16384xf32, #tpu.memory_space<vmem>>) target_semaphore(%arg14 : memref<!tpu.dma_semaphore, #tpu.memory_space<semaphore_mem>>)
    %jit3A_32 = arith.constant 1 : i32
    %jit3A_33 = arith.constant 8 : i32
    %div3A_34 = arith.divsi %jit3A_32, %jit3A_33 : i32
    %sign3A_35 = arith.constant 0 : i32
    %sign3A_36 = arith.cmpi sgt, %jit3A_32, %sign3A_35 : i32
    %sign3A_37 = arith.extui %sign3A_36 : i1 to i32
    %sign3A_38 = arith.constant 0 : i32
    %sign3A_39 = arith.cmpi slt, %jit3A_32, %sign3A_38 : i32
    %sign3A_40 = arith.extui %sign3A_39 : i1 to i32
    %sign3A_41 = arith.subi %sign3A_37, %sign3A_40 : i32
    %sign3A_42 = arith.constant 0 : i32
    %sign3A_43 = arith.cmpi sgt, %jit3A_33, %sign3A_42 : i32
    %sign3A_44 = arith.extui %sign3A_43 : i1 to i32
    %sign3A_45 = arith.constant 0 : i32
    %sign3A_46 = arith.cmpi slt, %jit3A_33, %sign3A_45 : i32
    %sign3A_47 = arith.extui %sign3A_46 : i1 to i32
    %sign3A_48 = arith.subi %sign3A_44, %sign3A_47 : i32
    %ne3A_49 = arith.cmpi ne, %sign3A_41, %sign3A_48 : i32
    %rem3A_50 = arith.remsi %jit3A_32, %jit3A_33 : i32
    %ne3A_51 = arith.constant 0 : i32
    %ne3A_52 = arith.cmpi ne, %rem3A_50, %ne3A_51 : i32
    %and3A_53 = arith.andi %ne3A_49, %ne3A_52 : i1
    %sub3A_54 = arith.constant 1 : i32
    %sub3A_55 = arith.subi %div3A_34, %sub3A_54 : i32
    %select_n3A_56 = arith.select %and3A_53, %sub3A_55, %div3A_34 : i32
    %mul3A_57 = arith.constant 256 : i32
    %mul3A_58 = arith.muli %select_n3A_56, %mul3A_57 : i32
    %rem3A_59 = arith.constant 1 : i32
    %rem3A_60 = arith.constant 8 : i32
    %rem3A_61 = arith.remsi %rem3A_59, %rem3A_60 : i32
    %mul3A_62 = arith.constant 32 : i32
    %mul3A_63 = arith.muli %rem3A_61, %mul3A_62 : i32
    %add3A_64 = arith.addi %mul3A_58, %mul3A_63 : i32
    %add3A_65 = arith.addi %add3A_64, %add3A : i32
    %dma_start3A_66 = arith.constant 0 : i32
    %dma_start3A_67 = tpu.memref_slice %arg2[%add3A_65, %dma_start3A_66] : memref<2048x16384xf32, #tpu.memory_space<hbm>> -> memref<1x16384xf32, #tpu.memory_space<hbm>>
    %dma_start3A_68 = tpu.memref_squeeze %dma_start3A_67 : memref<1x16384xf32, #tpu.memory_space<hbm>> -> memref<16384xf32, #tpu.memory_space<hbm>>
    %dma_start3A_69 = arith.constant 0 : i32
    %dma_start3A_70 = tpu.memref_slice %arg2[%add3A_65, %dma_start3A_69] : memref<2048x16384xf32, #tpu.memory_space<hbm>> -> memref<1x16384xf32, #tpu.memory_space<hbm>>
    %dma_start3A_71 = tpu.memref_squeeze %dma_start3A_70 : memref<1x16384xf32, #tpu.memory_space<hbm>> -> memref<16384xf32, #tpu.memory_space<hbm>>
    tpu.enqueue_dma source(%dma_start3A_71 : memref<16384xf32, #tpu.memory_space<hbm>>) target(%arg7 : memref<16384xf32, #tpu.memory_space<vmem>>) target_semaphore(%arg15 : memref<!tpu.dma_semaphore, #tpu.memory_space<semaphore_mem>>)
    %jit3A_72 = arith.constant 2 : i32
    %jit3A_73 = arith.constant 8 : i32
    %div3A_74 = arith.divsi %jit3A_72, %jit3A_73 : i32
    %sign3A_75 = arith.constant 0 : i32
    %sign3A_76 = arith.cmpi sgt, %jit3A_72, %sign3A_75 : i32
    %sign3A_77 = arith.extui %sign3A_76 : i1 to i32
    %sign3A_78 = arith.constant 0 : i32
    %sign3A_79 = arith.cmpi slt, %jit3A_72, %sign3A_78 : i32
    %sign3A_80 = arith.extui %sign3A_79 : i1 to i32
    %sign3A_81 = arith.subi %sign3A_77, %sign3A_80 : i32
    %sign3A_82 = arith.constant 0 : i32
    %sign3A_83 = arith.cmpi sgt, %jit3A_73, %sign3A_82 : i32
    %sign3A_84 = arith.extui %sign3A_83 : i1 to i32
    %sign3A_85 = arith.constant 0 : i32
    %sign3A_86 = arith.cmpi slt, %jit3A_73, %sign3A_85 : i32
    %sign3A_87 = arith.extui %sign3A_86 : i1 to i32
    %sign3A_88 = arith.subi %sign3A_84, %sign3A_87 : i32
    %ne3A_89 = arith.cmpi ne, %sign3A_81, %sign3A_88 : i32
    %rem3A_90 = arith.remsi %jit3A_72, %jit3A_73 : i32
    %ne3A_91 = arith.constant 0 : i32
    %ne3A_92 = arith.cmpi ne, %rem3A_90, %ne3A_91 : i32
    %and3A_93 = arith.andi %ne3A_89, %ne3A_92 : i1
    %sub3A_94 = arith.constant 1 : i32
    %sub3A_95 = arith.subi %div3A_74, %sub3A_94 : i32
    %select_n3A_96 = arith.select %and3A_93, %sub3A_95, %div3A_74 : i32
    %mul3A_97 = arith.constant 256 : i32
    %mul3A_98 = arith.muli %select_n3A_96, %mul3A_97 : i32
    %rem3A_99 = arith.constant 2 : i32
    %rem3A_100 = arith.constant 8 : i32
    %rem3A_101 = arith.remsi %rem3A_99, %rem3A_100 : i32
    %mul3A_102 = arith.constant 32 : i32
    %mul3A_103 = arith.muli %rem3A_101, %mul3A_102 : i32
    %add3A_104 = arith.addi %mul3A_98, %mul3A_103 : i32
    %add3A_105 = arith.addi %add3A_104, %add3A : i32
    %dma_start3A_106 = arith.constant 0 : i32
    %dma_start3A_107 = tpu.memref_slice %arg2[%add3A_105, %dma_start3A_106] : memref<2048x16384xf32, #tpu.memory_space<hbm>> -> memref<1x16384xf32, #tpu.memory_space<hbm>>
    %dma_start3A_108 = tpu.memref_squeeze %dma_start3A_107 : memref<1x16384xf32, #tpu.memory_space<hbm>> -> memref<16384xf32, #tpu.memory_space<hbm>>
    %dma_start3A_109 = arith.constant 0 : i32
    %dma_start3A_110 = tpu.memref_slice %arg2[%add3A_105, %dma_start3A_109] : memref<2048x16384xf32, #tpu.memory_space<hbm>> -> memref<1x16384xf32, #tpu.memory_space<hbm>>
    %dma_start3A_111 = tpu.memref_squeeze %dma_start3A_110 : memref<1x16384xf32, #tpu.memory_space<hbm>> -> memref<16384xf32, #tpu.memory_space<hbm>>
    tpu.enqueue_dma source(%dma_start3A_111 : memref<16384xf32, #tpu.memory_space<hbm>>) target(%arg8 : memref<16384xf32, #tpu.memory_space<vmem>>) target_semaphore(%arg16 : memref<!tpu.dma_semaphore, #tpu.memory_space<semaphore_mem>>)
    %jit3A_112 = arith.constant 3 : i32
    %jit3A_113 = arith.constant 8 : i32
    %div3A_114 = arith.divsi %jit3A_112, %jit3A_113 : i32
    %sign3A_115 = arith.constant 0 : i32
    %sign3A_116 = arith.cmpi sgt, %jit3A_112, %sign3A_115 : i32
    %sign3A_117 = arith.extui %sign3A_116 : i1 to i32
    %sign3A_118 = arith.constant 0 : i32
    %sign3A_119 = arith.cmpi slt, %jit3A_112, %sign3A_118 : i32
    %sign3A_120 = arith.extui %sign3A_119 : i1 to i32
    %sign3A_121 = arith.subi %sign3A_117, %sign3A_120 : i32
    %sign3A_122 = arith.constant 0 : i32
    %sign3A_123 = arith.cmpi sgt, %jit3A_113, %sign3A_122 : i32
    %sign3A_124 = arith.extui %sign3A_123 : i1 to i32
    %sign3A_125 = arith.constant 0 : i32
    %sign3A_126 = arith.cmpi slt, %jit3A_113, %sign3A_125 : i32
    %sign3A_127 = arith.extui %sign3A_126 : i1 to i32
    %sign3A_128 = arith.subi %sign3A_124, %sign3A_127 : i32
    %ne3A_129 = arith.cmpi ne, %sign3A_121, %sign3A_128 : i32
    %rem3A_130 = arith.remsi %jit3A_112, %jit3A_113 : i32
    %ne3A_131 = arith.constant 0 : i32
    %ne3A_132 = arith.cmpi ne, %rem3A_130, %ne3A_131 : i32
    %and3A_133 = arith.andi %ne3A_129, %ne3A_132 : i1
    %sub3A_134 = arith.constant 1 : i32
    %sub3A_135 = arith.subi %div3A_114, %sub3A_134 : i32
    %select_n3A_136 = arith.select %and3A_133, %sub3A_135, %div3A_114 : i32
    %mul3A_137 = arith.constant 256 : i32
    %mul3A_138 = arith.muli %select_n3A_136, %mul3A_137 : i32
    %rem3A_139 = arith.constant 3 : i32
    %rem3A_140 = arith.constant 8 : i32
    %rem3A_141 = arith.remsi %rem3A_139, %rem3A_140 : i32
    %mul3A_142 = arith.constant 32 : i32
    %mul3A_143 = arith.muli %rem3A_141, %mul3A_142 : i32
    %add3A_144 = arith.addi %mul3A_138, %mul3A_143 : i32
    %add3A_145 = arith.addi %add3A_144, %add3A : i32
    %dma_start3A_146 = arith.constant 0 : i32
    %dma_start3A_147 = tpu.memref_slice %arg2[%add3A_145, %dma_start3A_146] : memref<2048x16384xf32, #tpu.memory_space<hbm>> -> memref<1x16384xf32, #tpu.memory_space<hbm>>
    %dma_start3A_148 = tpu.memref_squeeze %dma_start3A_147 : memref<1x16384xf32, #tpu.memory_space<hbm>> -> memref<16384xf32, #tpu.memory_space<hbm>>
    %dma_start3A_149 = arith.constant 0 : i32
    %dma_start3A_150 = tpu.memref_slice %arg2[%add3A_145, %dma_start3A_149] : memref<2048x16384xf32, #tpu.memory_space<hbm>> -> memref<1x16384xf32, #tpu.memory_space<hbm>>
    %dma_start3A_151 = tpu.memref_squeeze %dma_start3A_150 : memref<1x16384xf32, #tpu.memory_space<hbm>> -> memref<16384xf32, #tpu.memory_space<hbm>>
    tpu.enqueue_dma source(%dma_start3A_151 : memref<16384xf32, #tpu.memory_space<hbm>>) target(%arg9 : memref<16384xf32, #tpu.memory_space<vmem>>) target_semaphore(%arg17 : memref<!tpu.dma_semaphore, #tpu.memory_space<semaphore_mem>>)
    %scan3A = arith.constant 0 : i32
    %scan3A_152 = arith.constant 0 : i32
    %scan3A_153 = arith.constant 16 : i32
    %scan3A_154 = arith.addi %scan3A_152, %scan3A_153 : i32
    %scan3A_155 = arith.constant 1 : i32
    scf.for %scan3A_184 = %scan3A_152 to %scan3A_154 step %scan3A_155  : i32 {
      %mul3A_185 = arith.constant 4 : i32
      %mul3A_186 = arith.muli %scan3A_184, %mul3A_185 : i32
      %rem3A_187 = arith.constant 2 : i32
      %rem3A_188 = arith.remsi %scan3A_184, %rem3A_187 : i32
      %eq3A = arith.constant 0 : i32
      %eq3A_189 = arith.cmpi eq, %rem3A_188, %eq3A : i32
      %convert_element_type3A = arith.extui %eq3A_189 : i1 to i32
      %cond3A = arith.constant 0 : i32
      %cond3A_190 = arith.cmpi ne, %convert_element_type3A, %cond3A : i32
      scf.if %cond3A_190 {
        %jit3A_432 = arith.constant 8 : i32
        %div3A_433 = arith.divsi %mul3A_186, %jit3A_432 : i32
        %sign3A_434 = arith.constant 0 : i32
        %sign3A_435 = arith.cmpi sgt, %mul3A_186, %sign3A_434 : i32
        %sign3A_436 = arith.extui %sign3A_435 : i1 to i32
        %sign3A_437 = arith.constant 0 : i32
        %sign3A_438 = arith.cmpi slt, %mul3A_186, %sign3A_437 : i32
        %sign3A_439 = arith.extui %sign3A_438 : i1 to i32
        %sign3A_440 = arith.subi %sign3A_436, %sign3A_439 : i32
        %sign3A_441 = arith.constant 0 : i32
        %sign3A_442 = arith.cmpi sgt, %jit3A_432, %sign3A_441 : i32
        %sign3A_443 = arith.extui %sign3A_442 : i1 to i32
        %sign3A_444 = arith.constant 0 : i32
        %sign3A_445 = arith.cmpi slt, %jit3A_432, %sign3A_444 : i32
        %sign3A_446 = arith.extui %sign3A_445 : i1 to i32
        %sign3A_447 = arith.subi %sign3A_443, %sign3A_446 : i32
        %ne3A_448 = arith.cmpi ne, %sign3A_440, %sign3A_447 : i32
        %rem3A_449 = arith.remsi %mul3A_186, %jit3A_432 : i32
        %ne3A_450 = arith.constant 0 : i32
        %ne3A_451 = arith.cmpi ne, %rem3A_449, %ne3A_450 : i32
        %and3A_452 = arith.andi %ne3A_448, %ne3A_451 : i1
        %sub3A_453 = arith.constant 1 : i32
        %sub3A_454 = arith.subi %div3A_433, %sub3A_453 : i32
        %select_n3A_455 = arith.select %and3A_452, %sub3A_454, %div3A_433 : i32
        "tpu.region"() ({
          %run_scoped3A_456 = tpu.sem_alloc : memref<!tpu.dma_semaphore, #tpu.memory_space<semaphore_mem>>
          %dma_start3A_457 = arith.constant 0 : i32
          %dma_start3A_458 = tpu.memref_slice %arg3[%select_n3A_455, %dma_start3A_457] : memref<8x4096xi32, #tpu.memory_space<hbm>> -> memref<1x4096xi32, #tpu.memory_space<hbm>>
          %dma_start3A_459 = tpu.memref_squeeze %dma_start3A_458 : memref<1x4096xi32, #tpu.memory_space<hbm>> -> memref<4096xi32, #tpu.memory_space<hbm>>
          %dma_start3A_460 = arith.constant 0 : i32
          %dma_start3A_461 = tpu.memref_slice %arg3[%select_n3A_455, %dma_start3A_460] : memref<8x4096xi32, #tpu.memory_space<hbm>> -> memref<1x4096xi32, #tpu.memory_space<hbm>>
          %dma_start3A_462 = tpu.memref_squeeze %dma_start3A_461 : memref<1x4096xi32, #tpu.memory_space<hbm>> -> memref<4096xi32, #tpu.memory_space<hbm>>
          tpu.enqueue_dma source(%dma_start3A_462 : memref<4096xi32, #tpu.memory_space<hbm>>) target(%arg5 : memref<4096xi32, #tpu.memory_space<vmem>>) target_semaphore(%run_scoped3A_456 : memref<!tpu.dma_semaphore, #tpu.memory_space<semaphore_mem>>)
          %dma_wait3A_463 = arith.constant 0 : i32
          %dma_wait3A_464 = tpu.memref_slice %arg3[%select_n3A_455, %dma_wait3A_463] : memref<8x4096xi32, #tpu.memory_space<hbm>> -> memref<1x4096xi32, #tpu.memory_space<hbm>>
          %dma_wait3A_465 = tpu.memref_squeeze %dma_wait3A_464 : memref<1x4096xi32, #tpu.memory_space<hbm>> -> memref<4096xi32, #tpu.memory_space<hbm>>
          %dma_wait3A_466 = arith.constant 0 : i32
          %dma_wait3A_467 = tpu.memref_slice %arg3[%select_n3A_455, %dma_wait3A_466] : memref<8x4096xi32, #tpu.memory_space<hbm>> -> memref<1x4096xi32, #tpu.memory_space<hbm>>
          %dma_wait3A_468 = tpu.memref_squeeze %dma_wait3A_467 : memref<1x4096xi32, #tpu.memory_space<hbm>> -> memref<4096xi32, #tpu.memory_space<hbm>>
          tpu.wait_dma2 semaphore(%run_scoped3A_456 : memref<!tpu.dma_semaphore, #tpu.memory_space<semaphore_mem>>) src(%dma_wait3A_468 : memref<4096xi32, #tpu.memory_space<hbm>>) dst(%arg5 : memref<4096xi32, #tpu.memory_space<vmem>>)
          tpu.yield
        }) : () -> ()
      } else {
      }
      %add3A_191 = arith.constant 0 : i32
      %add3A_192 = arith.addi %mul3A_186, %add3A_191 : i32
      %jit3A_193 = arith.constant 8 : i32
      %div3A_194 = arith.divsi %add3A_192, %jit3A_193 : i32
      %sign3A_195 = arith.constant 0 : i32
      %sign3A_196 = arith.cmpi sgt, %add3A_192, %sign3A_195 : i32
      %sign3A_197 = arith.extui %sign3A_196 : i1 to i32
      %sign3A_198 = arith.constant 0 : i32
      %sign3A_199 = arith.cmpi slt, %add3A_192, %sign3A_198 : i32
      %sign3A_200 = arith.extui %sign3A_199 : i1 to i32
      %sign3A_201 = arith.subi %sign3A_197, %sign3A_200 : i32
      %sign3A_202 = arith.constant 0 : i32
      %sign3A_203 = arith.cmpi sgt, %jit3A_193, %sign3A_202 : i32
      %sign3A_204 = arith.extui %sign3A_203 : i1 to i32
      %sign3A_205 = arith.constant 0 : i32
      %sign3A_206 = arith.cmpi slt, %jit3A_193, %sign3A_205 : i32
      %sign3A_207 = arith.extui %sign3A_206 : i1 to i32
      %sign3A_208 = arith.subi %sign3A_204, %sign3A_207 : i32
      %ne3A_209 = arith.cmpi ne, %sign3A_201, %sign3A_208 : i32
      %rem3A_210 = arith.remsi %add3A_192, %jit3A_193 : i32
      %ne3A_211 = arith.constant 0 : i32
      %ne3A_212 = arith.cmpi ne, %rem3A_210, %ne3A_211 : i32
      %and3A_213 = arith.andi %ne3A_209, %ne3A_212 : i1
      %sub3A_214 = arith.constant 1 : i32
      %sub3A_215 = arith.subi %div3A_194, %sub3A_214 : i32
      %select_n3A_216 = arith.select %and3A_213, %sub3A_215, %div3A_194 : i32
      %mul3A_217 = arith.constant 256 : i32
      %mul3A_218 = arith.muli %select_n3A_216, %mul3A_217 : i32
      %rem3A_219 = arith.constant 8 : i32
      %rem3A_220 = arith.remsi %add3A_192, %rem3A_219 : i32
      %mul3A_221 = arith.constant 32 : i32
      %mul3A_222 = arith.muli %rem3A_220, %mul3A_221 : i32
      %add3A_223 = arith.addi %mul3A_218, %mul3A_222 : i32
      %add3A_224 = arith.addi %add3A_223, %add3A : i32
      %dma_wait3A_225 = arith.constant 0 : i32
      %dma_wait3A_226 = tpu.memref_slice %arg2[%add3A_224, %dma_wait3A_225] : memref<2048x16384xf32, #tpu.memory_space<hbm>> -> memref<1x16384xf32, #tpu.memory_space<hbm>>
      %dma_wait3A_227 = tpu.memref_squeeze %dma_wait3A_226 : memref<1x16384xf32, #tpu.memory_space<hbm>> -> memref<16384xf32, #tpu.memory_space<hbm>>
      %dma_wait3A_228 = arith.constant 0 : i32
      %dma_wait3A_229 = tpu.memref_slice %arg2[%add3A_224, %dma_wait3A_228] : memref<2048x16384xf32, #tpu.memory_space<hbm>> -> memref<1x16384xf32, #tpu.memory_space<hbm>>
      %dma_wait3A_230 = tpu.memref_squeeze %dma_wait3A_229 : memref<1x16384xf32, #tpu.memory_space<hbm>> -> memref<16384xf32, #tpu.memory_space<hbm>>
      tpu.wait_dma2 semaphore(%arg14 : memref<!tpu.dma_semaphore, #tpu.memory_space<semaphore_mem>>) src(%dma_wait3A_230 : memref<16384xf32, #tpu.memory_space<hbm>>) dst(%arg6 : memref<16384xf32, #tpu.memory_space<vmem>>)
      %ge3A = arith.constant 4 : i32
      %ge3A_231 = arith.cmpi sge, %add3A_192, %ge3A : i32
      %convert_element_type3A_232 = arith.extui %ge3A_231 : i1 to i32
      %cond3A_233 = arith.constant 0 : i32
      %cond3A_234 = arith.cmpi ne, %convert_element_type3A_232, %cond3A_233 : i32
      scf.if %cond3A_234 {
        %dma_wait3A_432 = arith.constant 0 : i32
        %dma_wait3A_433 = tpu.memref_slice %arg4[%add3A_224, %dma_wait3A_432] : memref<2048x4096xf32, #tpu.memory_space<hbm>> -> memref<1x4096xf32, #tpu.memory_space<hbm>>
        %dma_wait3A_434 = tpu.memref_squeeze %dma_wait3A_433 : memref<1x4096xf32, #tpu.memory_space<hbm>> -> memref<4096xf32, #tpu.memory_space<hbm>>
        %dma_wait3A_435 = arith.constant 0 : i32
        %dma_wait3A_436 = tpu.memref_slice %arg4[%add3A_224, %dma_wait3A_435] : memref<2048x4096xf32, #tpu.memory_space<hbm>> -> memref<1x4096xf32, #tpu.memory_space<hbm>>
        %dma_wait3A_437 = tpu.memref_squeeze %dma_wait3A_436 : memref<1x4096xf32, #tpu.memory_space<hbm>> -> memref<4096xf32, #tpu.memory_space<hbm>>
        tpu.wait_dma2 semaphore(%arg18 : memref<!tpu.dma_semaphore, #tpu.memory_space<semaphore_mem>>) src(%arg10 : memref<4096xf32, #tpu.memory_space<vmem>>) dst(%dma_wait3A_437 : memref<4096xf32, #tpu.memory_space<hbm>>)
      } else {
      }
      %parallel_loop3A = arith.constant 0 : i32
      %parallel_loop3A_235 = arith.constant 4096 : i32
      %parallel_loop3A_236 = arith.constant 16 : i32
      scf.for %parallel_loop3A_432 = %parallel_loop3A to %parallel_loop3A_235 step %parallel_loop3A_236  : i32 {
        %parallel_loop3A_433 = arith.index_cast %parallel_loop3A_432 : i32 to index
        %parallel_loop3A_434 = tpu.vector_load %arg5[%parallel_loop3A_433] {strides = array<i32>} : memref<4096xi32, #tpu.memory_space<vmem>>, vector<16xi32>,
        %parallel_loop3A_435 = tpu.vector_load_idx %arg6[%parallel_loop3A_434] : memref<16384xf32, #tpu.memory_space<vmem>>[vector<16xi32>], vector<16xf32>,
        %parallel_loop3A_436 = arith.index_cast %parallel_loop3A_432 : i32 to index
        %parallel_loop3A_437 = tpu.vector_load %arg10[%parallel_loop3A_436] {strides = array<i32>} : memref<4096xf32, #tpu.memory_space<vmem>>, vector<16xf32>,
        tpu.vector_store %arg10[%parallel_loop3A_436], %parallel_loop3A_435 {strides = array<i32>} : memref<4096xf32, #tpu.memory_space<vmem>>, vector<16xf32>,
      } {sc.loop_unroll_factor = 8 : i64, sc.parallel_access}
      %dma_start3A_237 = arith.constant 0 : i32
      %dma_start3A_238 = tpu.memref_slice %arg4[%add3A_224, %dma_start3A_237] : memref<2048x4096xf32, #tpu.memory_space<hbm>> -> memref<1x4096xf32, #tpu.memory_space<hbm>>
      %dma_start3A_239 = tpu.memref_squeeze %dma_start3A_238 : memref<1x4096xf32, #tpu.memory_space<hbm>> -> memref<4096xf32, #tpu.memory_space<hbm>>
      %dma_start3A_240 = arith.constant 0 : i32
      %dma_start3A_241 = tpu.memref_slice %arg4[%add3A_224, %dma_start3A_240] : memref<2048x4096xf32, #tpu.memory_space<hbm>> -> memref<1x4096xf32, #tpu.memory_space<hbm>>
      %dma_start3A_242 = tpu.memref_squeeze %dma_start3A_241 : memref<1x4096xf32, #tpu.memory_space<hbm>> -> memref<4096xf32, #tpu.memory_space<hbm>>
      tpu.enqueue_dma source(%arg10 : memref<4096xf32, #tpu.memory_space<vmem>>) target(%dma_start3A_242 : memref<4096xf32, #tpu.memory_space<hbm>>) target_semaphore(%arg18 : memref<!tpu.dma_semaphore, #tpu.memory_space<semaphore_mem>>)
      %add3A_243 = arith.constant 4 : i32
      %add3A_244 = arith.addi %add3A_192, %add3A_243 : i32
      %lt3A = arith.constant 64 : i32
      %lt3A_245 = arith.cmpi slt, %add3A_244, %lt3A : i32
      %convert_element_type3A_246 = arith.extui %lt3A_245 : i1 to i32
      %cond3A_247 = arith.constant 0 : i32
      %cond3A_248 = arith.cmpi ne, %convert_element_type3A_246, %cond3A_247 : i32
      scf.if %cond3A_248 {
        %add3A_432 = arith.constant 4 : i32
        %add3A_433 = arith.addi %add3A_192, %add3A_432 : i32
        %jit3A_434 = arith.constant 8 : i32
        %div3A_435 = arith.divsi %add3A_433, %jit3A_434 : i32
        %sign3A_436 = arith.constant 0 : i32
        %sign3A_437 = arith.cmpi sgt, %add3A_433, %sign3A_436 : i32
        %sign3A_438 = arith.extui %sign3A_437 : i1 to i32
        %sign3A_439 = arith.constant 0 : i32
        %sign3A_440 = arith.cmpi slt, %add3A_433, %sign3A_439 : i32
        %sign3A_441 = arith.extui %sign3A_440 : i1 to i32
        %sign3A_442 = arith.subi %sign3A_438, %sign3A_441 : i32
        %sign3A_443 = arith.constant 0 : i32
        %sign3A_444 = arith.cmpi sgt, %jit3A_434, %sign3A_443 : i32
        %sign3A_445 = arith.extui %sign3A_444 : i1 to i32
        %sign3A_446 = arith.constant 0 : i32
        %sign3A_447 = arith.cmpi slt, %jit3A_434, %sign3A_446 : i32
        %sign3A_448 = arith.extui %sign3A_447 : i1 to i32
        %sign3A_449 = arith.subi %sign3A_445, %sign3A_448 : i32
        %ne3A_450 = arith.cmpi ne, %sign3A_442, %sign3A_449 : i32
        %rem3A_451 = arith.remsi %add3A_433, %jit3A_434 : i32
        %ne3A_452 = arith.constant 0 : i32
        %ne3A_453 = arith.cmpi ne, %rem3A_451, %ne3A_452 : i32
        %and3A_454 = arith.andi %ne3A_450, %ne3A_453 : i1
        %sub3A_455 = arith.constant 1 : i32
        %sub3A_456 = arith.subi %div3A_435, %sub3A_455 : i32
        %select_n3A_457 = arith.select %and3A_454, %sub3A_456, %div3A_435 : i32
        %mul3A_458 = arith.constant 256 : i32
        %mul3A_459 = arith.muli %select_n3A_457, %mul3A_458 : i32
        %rem3A_460 = arith.constant 8 : i32
        %rem3A_461 = arith.remsi %add3A_433, %rem3A_460 : i32
        %mul3A_462 = arith.constant 32 : i32
        %mul3A_463 = arith.muli %rem3A_461, %mul3A_462 : i32
        %add3A_464 = arith.addi %mul3A_459, %mul3A_463 : i32
        %add3A_465 = arith.addi %add3A_464, %add3A : i32
        %dma_start3A_466 = arith.constant 0 : i32
        %dma_start3A_467 = tpu.memref_slice %arg2[%add3A_465, %dma_start3A_466] : memref<2048x16384xf32, #tpu.memory_space<hbm>> -> memref<1x16384xf32, #tpu.memory_space<hbm>>
        %dma_start3A_468 = tpu.memref_squeeze %dma_start3A_467 : memref<1x16384xf32, #tpu.memory_space<hbm>> -> memref<16384xf32, #tpu.memory_space<hbm>>
        %dma_start3A_469 = arith.constant 0 : i32
        %dma_start3A_470 = tpu.memref_slice %arg2[%add3A_465, %dma_start3A_469] : memref<2048x16384xf32, #tpu.memory_space<hbm>> -> memref<1x16384xf32, #tpu.memory_space<hbm>>
        %dma_start3A_471 = tpu.memref_squeeze %dma_start3A_470 : memref<1x16384xf32, #tpu.memory_space<hbm>> -> memref<16384xf32, #tpu.memory_space<hbm>>
        tpu.enqueue_dma source(%dma_start3A_471 : memref<16384xf32, #tpu.memory_space<hbm>>) target(%arg6 : memref<16384xf32, #tpu.memory_space<vmem>>) target_semaphore(%arg14 : memref<!tpu.dma_semaphore, #tpu.memory_space<semaphore_mem>>)
      } else {
      }
      %add3A_249 = arith.constant 1 : i32
      %add3A_250 = arith.addi %mul3A_186, %add3A_249 : i32
      %jit3A_251 = arith.constant 8 : i32
      %div3A_252 = arith.divsi %add3A_250, %jit3A_251 : i32
      %sign3A_253 = arith.constant 0 : i32
      %sign3A_254 = arith.cmpi sgt, %add3A_250, %sign3A_253 : i32
      %sign3A_255 = arith.extui %sign3A_254 : i1 to i32
      %sign3A_256 = arith.constant 0 : i32
      %sign3A_257 = arith.cmpi slt, %add3A_250, %sign3A_256 : i32
      %sign3A_258 = arith.extui %sign3A_257 : i1 to i32
      %sign3A_259 = arith.subi %sign3A_255, %sign3A_258 : i32
      %sign3A_260 = arith.constant 0 : i32
      %sign3A_261 = arith.cmpi sgt, %jit3A_251, %sign3A_260 : i32
      %sign3A_262 = arith.extui %sign3A_261 : i1 to i32
      %sign3A_263 = arith.constant 0 : i32
      %sign3A_264 = arith.cmpi slt, %jit3A_251, %sign3A_263 : i32
      %sign3A_265 = arith.extui %sign3A_264 : i1 to i32
      %sign3A_266 = arith.subi %sign3A_262, %sign3A_265 : i32
      %ne3A_267 = arith.cmpi ne, %sign3A_259, %sign3A_266 : i32
      %rem3A_268 = arith.remsi %add3A_250, %jit3A_251 : i32
      %ne3A_269 = arith.constant 0 : i32
      %ne3A_270 = arith.cmpi ne, %rem3A_268, %ne3A_269 : i32
      %and3A_271 = arith.andi %ne3A_267, %ne3A_270 : i1
      %sub3A_272 = arith.constant 1 : i32
      %sub3A_273 = arith.subi %div3A_252, %sub3A_272 : i32
      %select_n3A_274 = arith.select %and3A_271, %sub3A_273, %div3A_252 : i32
      %mul3A_275 = arith.constant 256 : i32
      %mul3A_276 = arith.muli %select_n3A_274, %mul3A_275 : i32
      %rem3A_277 = arith.constant 8 : i32
      %rem3A_278 = arith.remsi %add3A_250, %rem3A_277 : i32
      %mul3A_279 = arith.constant 32 : i32
      %mul3A_280 = arith.muli %rem3A_278, %mul3A_279 : i32
      %add3A_281 = arith.addi %mul3A_276, %mul3A_280 : i32
      %add3A_282 = arith.addi %add3A_281, %add3A : i32
      %dma_wait3A_283 = arith.constant 0 : i32
      %dma_wait3A_284 = tpu.memref_slice %arg2[%add3A_282, %dma_wait3A_283] : memref<2048x16384xf32, #tpu.memory_space<hbm>> -> memref<1x16384xf32, #tpu.memory_space<hbm>>
      %dma_wait3A_285 = tpu.memref_squeeze %dma_wait3A_284 : memref<1x16384xf32, #tpu.memory_space<hbm>> -> memref<16384xf32, #tpu.memory_space<hbm>>
      %dma_wait3A_286 = arith.constant 0 : i32
      %dma_wait3A_287 = tpu.memref_slice %arg2[%add3A_282, %dma_wait3A_286] : memref<2048x16384xf32, #tpu.memory_space<hbm>> -> memref<1x16384xf32, #tpu.memory_space<hbm>>
      %dma_wait3A_288 = tpu.memref_squeeze %dma_wait3A_287 : memref<1x16384xf32, #tpu.memory_space<hbm>> -> memref<16384xf32, #tpu.memory_space<hbm>>
      tpu.wait_dma2 semaphore(%arg15 : memref<!tpu.dma_semaphore, #tpu.memory_space<semaphore_mem>>) src(%dma_wait3A_288 : memref<16384xf32, #tpu.memory_space<hbm>>) dst(%arg7 : memref<16384xf32, #tpu.memory_space<vmem>>)
      %ge3A_289 = arith.constant 4 : i32
      %ge3A_290 = arith.cmpi sge, %add3A_250, %ge3A_289 : i32
      %convert_element_type3A_291 = arith.extui %ge3A_290 : i1 to i32
      %cond3A_292 = arith.constant 0 : i32
      %cond3A_293 = arith.cmpi ne, %convert_element_type3A_291, %cond3A_292 : i32
      scf.if %cond3A_293 {
        %dma_wait3A_432 = arith.constant 0 : i32
        %dma_wait3A_433 = tpu.memref_slice %arg4[%add3A_282, %dma_wait3A_432] : memref<2048x4096xf32, #tpu.memory_space<hbm>> -> memref<1x4096xf32, #tpu.memory_space<hbm>>
        %dma_wait3A_434 = tpu.memref_squeeze %dma_wait3A_433 : memref<1x4096xf32, #tpu.memory_space<hbm>> -> memref<4096xf32, #tpu.memory_space<hbm>>
        %dma_wait3A_435 = arith.constant 0 : i32
        %dma_wait3A_436 = tpu.memref_slice %arg4[%add3A_282, %dma_wait3A_435] : memref<2048x4096xf32, #tpu.memory_space<hbm>> -> memref<1x4096xf32, #tpu.memory_space<hbm>>
        %dma_wait3A_437 = tpu.memref_squeeze %dma_wait3A_436 : memref<1x4096xf32, #tpu.memory_space<hbm>> -> memref<4096xf32, #tpu.memory_space<hbm>>
        tpu.wait_dma2 semaphore(%arg19 : memref<!tpu.dma_semaphore, #tpu.memory_space<semaphore_mem>>) src(%arg11 : memref<4096xf32, #tpu.memory_space<vmem>>) dst(%dma_wait3A_437 : memref<4096xf32, #tpu.memory_space<hbm>>)
      } else {
      }
      %parallel_loop3A_294 = arith.constant 0 : i32
      %parallel_loop3A_295 = arith.constant 4096 : i32
      %parallel_loop3A_296 = arith.constant 16 : i32
      scf.for %parallel_loop3A_432 = %parallel_loop3A_294 to %parallel_loop3A_295 step %parallel_loop3A_296  : i32 {
        %parallel_loop3A_433 = arith.index_cast %parallel_loop3A_432 : i32 to index
        %parallel_loop3A_434 = tpu.vector_load %arg5[%parallel_loop3A_433] {strides = array<i32>} : memref<4096xi32, #tpu.memory_space<vmem>>, vector<16xi32>,
        %parallel_loop3A_435 = tpu.vector_load_idx %arg7[%parallel_loop3A_434] : memref<16384xf32, #tpu.memory_space<vmem>>[vector<16xi32>], vector<16xf32>,
        %parallel_loop3A_436 = arith.index_cast %parallel_loop3A_432 : i32 to index
        %parallel_loop3A_437 = tpu.vector_load %arg11[%parallel_loop3A_436] {strides = array<i32>} : memref<4096xf32, #tpu.memory_space<vmem>>, vector<16xf32>,
        tpu.vector_store %arg11[%parallel_loop3A_436], %parallel_loop3A_435 {strides = array<i32>} : memref<4096xf32, #tpu.memory_space<vmem>>, vector<16xf32>,
      } {sc.loop_unroll_factor = 8 : i64, sc.parallel_access}
      %dma_start3A_297 = arith.constant 0 : i32
      %dma_start3A_298 = tpu.memref_slice %arg4[%add3A_282, %dma_start3A_297] : memref<2048x4096xf32, #tpu.memory_space<hbm>> -> memref<1x4096xf32, #tpu.memory_space<hbm>>
      %dma_start3A_299 = tpu.memref_squeeze %dma_start3A_298 : memref<1x4096xf32, #tpu.memory_space<hbm>> -> memref<4096xf32, #tpu.memory_space<hbm>>
      %dma_start3A_300 = arith.constant 0 : i32
      %dma_start3A_301 = tpu.memref_slice %arg4[%add3A_282, %dma_start3A_300] : memref<2048x4096xf32, #tpu.memory_space<hbm>> -> memref<1x4096xf32, #tpu.memory_space<hbm>>
      %dma_start3A_302 = tpu.memref_squeeze %dma_start3A_301 : memref<1x4096xf32, #tpu.memory_space<hbm>> -> memref<4096xf32, #tpu.memory_space<hbm>>
      tpu.enqueue_dma source(%arg11 : memref<4096xf32, #tpu.memory_space<vmem>>) target(%dma_start3A_302 : memref<4096xf32, #tpu.memory_space<hbm>>) target_semaphore(%arg19 : memref<!tpu.dma_semaphore, #tpu.memory_space<semaphore_mem>>)
      %add3A_303 = arith.constant 4 : i32
      %add3A_304 = arith.addi %add3A_250, %add3A_303 : i32
      %lt3A_305 = arith.constant 64 : i32
      %lt3A_306 = arith.cmpi slt, %add3A_304, %lt3A_305 : i32
      %convert_element_type3A_307 = arith.extui %lt3A_306 : i1 to i32
      %cond3A_308 = arith.constant 0 : i32
      %cond3A_309 = arith.cmpi ne, %convert_element_type3A_307, %cond3A_308 : i32
      scf.if %cond3A_309 {
        %add3A_432 = arith.constant 4 : i32
        %add3A_433 = arith.addi %add3A_250, %add3A_432 : i32
        %jit3A_434 = arith.constant 8 : i32
        %div3A_435 = arith.divsi %add3A_433, %jit3A_434 : i32
        %sign3A_436 = arith.constant 0 : i32
        %sign3A_437 = arith.cmpi sgt, %add3A_433, %sign3A_436 : i32
        %sign3A_438 = arith.extui %sign3A_437 : i1 to i32
        %sign3A_439 = arith.constant 0 : i32
        %sign3A_440 = arith.cmpi slt, %add3A_433, %sign3A_439 : i32
        %sign3A_441 = arith.extui %sign3A_440 : i1 to i32
        %sign3A_442 = arith.subi %sign3A_438, %sign3A_441 : i32
        %sign3A_443 = arith.constant 0 : i32
        %sign3A_444 = arith.cmpi sgt, %jit3A_434, %sign3A_443 : i32
        %sign3A_445 = arith.extui %sign3A_444 : i1 to i32
        %sign3A_446 = arith.constant 0 : i32
        %sign3A_447 = arith.cmpi slt, %jit3A_434, %sign3A_446 : i32
        %sign3A_448 = arith.extui %sign3A_447 : i1 to i32
        %sign3A_449 = arith.subi %sign3A_445, %sign3A_448 : i32
        %ne3A_450 = arith.cmpi ne, %sign3A_442, %sign3A_449 : i32
        %rem3A_451 = arith.remsi %add3A_433, %jit3A_434 : i32
        %ne3A_452 = arith.constant 0 : i32
        %ne3A_453 = arith.cmpi ne, %rem3A_451, %ne3A_452 : i32
        %and3A_454 = arith.andi %ne3A_450, %ne3A_453 : i1
        %sub3A_455 = arith.constant 1 : i32
        %sub3A_456 = arith.subi %div3A_435, %sub3A_455 : i32
        %select_n3A_457 = arith.select %and3A_454, %sub3A_456, %div3A_435 : i32
        %mul3A_458 = arith.constant 256 : i32
        %mul3A_459 = arith.muli %select_n3A_457, %mul3A_458 : i32
        %rem3A_460 = arith.constant 8 : i32
        %rem3A_461 = arith.remsi %add3A_433, %rem3A_460 : i32
        %mul3A_462 = arith.constant 32 : i32
        %mul3A_463 = arith.muli %rem3A_461, %mul3A_462 : i32
        %add3A_464 = arith.addi %mul3A_459, %mul3A_463 : i32
        %add3A_465 = arith.addi %add3A_464, %add3A : i32
        %dma_start3A_466 = arith.constant 0 : i32
        %dma_start3A_467 = tpu.memref_slice %arg2[%add3A_465, %dma_start3A_466] : memref<2048x16384xf32, #tpu.memory_space<hbm>> -> memref<1x16384xf32, #tpu.memory_space<hbm>>
        %dma_start3A_468 = tpu.memref_squeeze %dma_start3A_467 : memref<1x16384xf32, #tpu.memory_space<hbm>> -> memref<16384xf32, #tpu.memory_space<hbm>>
        %dma_start3A_469 = arith.constant 0 : i32
        %dma_start3A_470 = tpu.memref_slice %arg2[%add3A_465, %dma_start3A_469] : memref<2048x16384xf32, #tpu.memory_space<hbm>> -> memref<1x16384xf32, #tpu.memory_space<hbm>>
        %dma_start3A_471 = tpu.memref_squeeze %dma_start3A_470 : memref<1x16384xf32, #tpu.memory_space<hbm>> -> memref<16384xf32, #tpu.memory_space<hbm>>
        tpu.enqueue_dma source(%dma_start3A_471 : memref<16384xf32, #tpu.memory_space<hbm>>) target(%arg7 : memref<16384xf32, #tpu.memory_space<vmem>>) target_semaphore(%arg15 : memref<!tpu.dma_semaphore, #tpu.memory_space<semaphore_mem>>)
      } else {
      }
      %add3A_310 = arith.constant 2 : i32
      %add3A_311 = arith.addi %mul3A_186, %add3A_310 : i32
      %jit3A_312 = arith.constant 8 : i32
      %div3A_313 = arith.divsi %add3A_311, %jit3A_312 : i32
      %sign3A_314 = arith.constant 0 : i32
      %sign3A_315 = arith.cmpi sgt, %add3A_311, %sign3A_314 : i32
      %sign3A_316 = arith.extui %sign3A_315 : i1 to i32
      %sign3A_317 = arith.constant 0 : i32
      %sign3A_318 = arith.cmpi slt, %add3A_311, %sign3A_317 : i32
      %sign3A_319 = arith.extui %sign3A_318 : i1 to i32
      %sign3A_320 = arith.subi %sign3A_316, %sign3A_319 : i32
      %sign3A_321 = arith.constant 0 : i32
      %sign3A_322 = arith.cmpi sgt, %jit3A_312, %sign3A_321 : i32
      %sign3A_323 = arith.extui %sign3A_322 : i1 to i32
      %sign3A_324 = arith.constant 0 : i32
      %sign3A_325 = arith.cmpi slt, %jit3A_312, %sign3A_324 : i32
      %sign3A_326 = arith.extui %sign3A_325 : i1 to i32
      %sign3A_327 = arith.subi %sign3A_323, %sign3A_326 : i32
      %ne3A_328 = arith.cmpi ne, %sign3A_320, %sign3A_327 : i32
      %rem3A_329 = arith.remsi %add3A_311, %jit3A_312 : i32
      %ne3A_330 = arith.constant 0 : i32
      %ne3A_331 = arith.cmpi ne, %rem3A_329, %ne3A_330 : i32
      %and3A_332 = arith.andi %ne3A_328, %ne3A_331 : i1
      %sub3A_333 = arith.constant 1 : i32
      %sub3A_334 = arith.subi %div3A_313, %sub3A_333 : i32
      %select_n3A_335 = arith.select %and3A_332, %sub3A_334, %div3A_313 : i32
      %mul3A_336 = arith.constant 256 : i32
      %mul3A_337 = arith.muli %select_n3A_335, %mul3A_336 : i32
      %rem3A_338 = arith.constant 8 : i32
      %rem3A_339 = arith.remsi %add3A_311, %rem3A_338 : i32
      %mul3A_340 = arith.constant 32 : i32
      %mul3A_341 = arith.muli %rem3A_339, %mul3A_340 : i32
      %add3A_342 = arith.addi %mul3A_337, %mul3A_341 : i32
      %add3A_343 = arith.addi %add3A_342, %add3A : i32
      %dma_wait3A_344 = arith.constant 0 : i32
      %dma_wait3A_345 = tpu.memref_slice %arg2[%add3A_343, %dma_wait3A_344] : memref<2048x16384xf32, #tpu.memory_space<hbm>> -> memref<1x16384xf32, #tpu.memory_space<hbm>>
      %dma_wait3A_346 = tpu.memref_squeeze %dma_wait3A_345 : memref<1x16384xf32, #tpu.memory_space<hbm>> -> memref<16384xf32, #tpu.memory_space<hbm>>
      %dma_wait3A_347 = arith.constant 0 : i32
      %dma_wait3A_348 = tpu.memref_slice %arg2[%add3A_343, %dma_wait3A_347] : memref<2048x16384xf32, #tpu.memory_space<hbm>> -> memref<1x16384xf32, #tpu.memory_space<hbm>>
      %dma_wait3A_349 = tpu.memref_squeeze %dma_wait3A_348 : memref<1x16384xf32, #tpu.memory_space<hbm>> -> memref<16384xf32, #tpu.memory_space<hbm>>
      tpu.wait_dma2 semaphore(%arg16 : memref<!tpu.dma_semaphore, #tpu.memory_space<semaphore_mem>>) src(%dma_wait3A_349 : memref<16384xf32, #tpu.memory_space<hbm>>) dst(%arg8 : memref<16384xf32, #tpu.memory_space<vmem>>)
      %ge3A_350 = arith.constant 4 : i32
      %ge3A_351 = arith.cmpi sge, %add3A_311, %ge3A_350 : i32
      %convert_element_type3A_352 = arith.extui %ge3A_351 : i1 to i32
      %cond3A_353 = arith.constant 0 : i32
      %cond3A_354 = arith.cmpi ne, %convert_element_type3A_352, %cond3A_353 : i32
      scf.if %cond3A_354 {
        %dma_wait3A_432 = arith.constant 0 : i32
        %dma_wait3A_433 = tpu.memref_slice %arg4[%add3A_343, %dma_wait3A_432] : memref<2048x4096xf32, #tpu.memory_space<hbm>> -> memref<1x4096xf32, #tpu.memory_space<hbm>>
        %dma_wait3A_434 = tpu.memref_squeeze %dma_wait3A_433 : memref<1x4096xf32, #tpu.memory_space<hbm>> -> memref<4096xf32, #tpu.memory_space<hbm>>
        %dma_wait3A_435 = arith.constant 0 : i32
        %dma_wait3A_436 = tpu.memref_slice %arg4[%add3A_343, %dma_wait3A_435] : memref<2048x4096xf32, #tpu.memory_space<hbm>> -> memref<1x4096xf32, #tpu.memory_space<hbm>>
        %dma_wait3A_437 = tpu.memref_squeeze %dma_wait3A_436 : memref<1x4096xf32, #tpu.memory_space<hbm>> -> memref<4096xf32, #tpu.memory_space<hbm>>
        tpu.wait_dma2 semaphore(%arg20 : memref<!tpu.dma_semaphore, #tpu.memory_space<semaphore_mem>>) src(%arg12 : memref<4096xf32, #tpu.memory_space<vmem>>) dst(%dma_wait3A_437 : memref<4096xf32, #tpu.memory_space<hbm>>)
      } else {
      }
      %parallel_loop3A_355 = arith.constant 0 : i32
      %parallel_loop3A_356 = arith.constant 4096 : i32
      %parallel_loop3A_357 = arith.constant 16 : i32
      scf.for %parallel_loop3A_432 = %parallel_loop3A_355 to %parallel_loop3A_356 step %parallel_loop3A_357  : i32 {
        %parallel_loop3A_433 = arith.index_cast %parallel_loop3A_432 : i32 to index
        %parallel_loop3A_434 = tpu.vector_load %arg5[%parallel_loop3A_433] {strides = array<i32>} : memref<4096xi32, #tpu.memory_space<vmem>>, vector<16xi32>,
        %parallel_loop3A_435 = tpu.vector_load_idx %arg8[%parallel_loop3A_434] : memref<16384xf32, #tpu.memory_space<vmem>>[vector<16xi32>], vector<16xf32>,
        %parallel_loop3A_436 = arith.index_cast %parallel_loop3A_432 : i32 to index
        %parallel_loop3A_437 = tpu.vector_load %arg12[%parallel_loop3A_436] {strides = array<i32>} : memref<4096xf32, #tpu.memory_space<vmem>>, vector<16xf32>,
        tpu.vector_store %arg12[%parallel_loop3A_436], %parallel_loop3A_435 {strides = array<i32>} : memref<4096xf32, #tpu.memory_space<vmem>>, vector<16xf32>,
      } {sc.loop_unroll_factor = 8 : i64, sc.parallel_access}
      %dma_start3A_358 = arith.constant 0 : i32
      %dma_start3A_359 = tpu.memref_slice %arg4[%add3A_343, %dma_start3A_358] : memref<2048x4096xf32, #tpu.memory_space<hbm>> -> memref<1x4096xf32, #tpu.memory_space<hbm>>
      %dma_start3A_360 = tpu.memref_squeeze %dma_start3A_359 : memref<1x4096xf32, #tpu.memory_space<hbm>> -> memref<4096xf32, #tpu.memory_space<hbm>>
      %dma_start3A_361 = arith.constant 0 : i32
      %dma_start3A_362 = tpu.memref_slice %arg4[%add3A_343, %dma_start3A_361] : memref<2048x4096xf32, #tpu.memory_space<hbm>> -> memref<1x4096xf32, #tpu.memory_space<hbm>>
      %dma_start3A_363 = tpu.memref_squeeze %dma_start3A_362 : memref<1x4096xf32, #tpu.memory_space<hbm>> -> memref<4096xf32, #tpu.memory_space<hbm>>
      tpu.enqueue_dma source(%arg12 : memref<4096xf32, #tpu.memory_space<vmem>>) target(%dma_start3A_363 : memref<4096xf32, #tpu.memory_space<hbm>>) target_semaphore(%arg20 : memref<!tpu.dma_semaphore, #tpu.memory_space<semaphore_mem>>)
      %add3A_364 = arith.constant 4 : i32
      %add3A_365 = arith.addi %add3A_311, %add3A_364 : i32
      %lt3A_366 = arith.constant 64 : i32
      %lt3A_367 = arith.cmpi slt, %add3A_365, %lt3A_366 : i32
      %convert_element_type3A_368 = arith.extui %lt3A_367 : i1 to i32
      %cond3A_369 = arith.constant 0 : i32
      %cond3A_370 = arith.cmpi ne, %convert_element_type3A_368, %cond3A_369 : i32
      scf.if %cond3A_370 {
        %add3A_432 = arith.constant 4 : i32
        %add3A_433 = arith.addi %add3A_311, %add3A_432 : i32
        %jit3A_434 = arith.constant 8 : i32
        %div3A_435 = arith.divsi %add3A_433, %jit3A_434 : i32
        %sign3A_436 = arith.constant 0 : i32
        %sign3A_437 = arith.cmpi sgt, %add3A_433, %sign3A_436 : i32
        %sign3A_438 = arith.extui %sign3A_437 : i1 to i32
        %sign3A_439 = arith.constant 0 : i32
        %sign3A_440 = arith.cmpi slt, %add3A_433, %sign3A_439 : i32
        %sign3A_441 = arith.extui %sign3A_440 : i1 to i32
        %sign3A_442 = arith.subi %sign3A_438, %sign3A_441 : i32
        %sign3A_443 = arith.constant 0 : i32
        %sign3A_444 = arith.cmpi sgt, %jit3A_434, %sign3A_443 : i32
        %sign3A_445 = arith.extui %sign3A_444 : i1 to i32
        %sign3A_446 = arith.constant 0 : i32
        %sign3A_447 = arith.cmpi slt, %jit3A_434, %sign3A_446 : i32
        %sign3A_448 = arith.extui %sign3A_447 : i1 to i32
        %sign3A_449 = arith.subi %sign3A_445, %sign3A_448 : i32
        %ne3A_450 = arith.cmpi ne, %sign3A_442, %sign3A_449 : i32
        %rem3A_451 = arith.remsi %add3A_433, %jit3A_434 : i32
        %ne3A_452 = arith.constant 0 : i32
        %ne3A_453 = arith.cmpi ne, %rem3A_451, %ne3A_452 : i32
        %and3A_454 = arith.andi %ne3A_450, %ne3A_453 : i1
        %sub3A_455 = arith.constant 1 : i32
        %sub3A_456 = arith.subi %div3A_435, %sub3A_455 : i32
        %select_n3A_457 = arith.select %and3A_454, %sub3A_456, %div3A_435 : i32
        %mul3A_458 = arith.constant 256 : i32
        %mul3A_459 = arith.muli %select_n3A_457, %mul3A_458 : i32
        %rem3A_460 = arith.constant 8 : i32
        %rem3A_461 = arith.remsi %add3A_433, %rem3A_460 : i32
        %mul3A_462 = arith.constant 32 : i32
        %mul3A_463 = arith.muli %rem3A_461, %mul3A_462 : i32
        %add3A_464 = arith.addi %mul3A_459, %mul3A_463 : i32
        %add3A_465 = arith.addi %add3A_464, %add3A : i32
        %dma_start3A_466 = arith.constant 0 : i32
        %dma_start3A_467 = tpu.memref_slice %arg2[%add3A_465, %dma_start3A_466] : memref<2048x16384xf32, #tpu.memory_space<hbm>> -> memref<1x16384xf32, #tpu.memory_space<hbm>>
        %dma_start3A_468 = tpu.memref_squeeze %dma_start3A_467 : memref<1x16384xf32, #tpu.memory_space<hbm>> -> memref<16384xf32, #tpu.memory_space<hbm>>
        %dma_start3A_469 = arith.constant 0 : i32
        %dma_start3A_470 = tpu.memref_slice %arg2[%add3A_465, %dma_start3A_469] : memref<2048x16384xf32, #tpu.memory_space<hbm>> -> memref<1x16384xf32, #tpu.memory_space<hbm>>
        %dma_start3A_471 = tpu.memref_squeeze %dma_start3A_470 : memref<1x16384xf32, #tpu.memory_space<hbm>> -> memref<16384xf32, #tpu.memory_space<hbm>>
        tpu.enqueue_dma source(%dma_start3A_471 : memref<16384xf32, #tpu.memory_space<hbm>>) target(%arg8 : memref<16384xf32, #tpu.memory_space<vmem>>) target_semaphore(%arg16 : memref<!tpu.dma_semaphore, #tpu.memory_space<semaphore_mem>>)
      } else {
      }
      %add3A_371 = arith.constant 3 : i32
      %add3A_372 = arith.addi %mul3A_186, %add3A_371 : i32
      %jit3A_373 = arith.constant 8 : i32
      %div3A_374 = arith.divsi %add3A_372, %jit3A_373 : i32
      %sign3A_375 = arith.constant 0 : i32
      %sign3A_376 = arith.cmpi sgt, %add3A_372, %sign3A_375 : i32
      %sign3A_377 = arith.extui %sign3A_376 : i1 to i32
      %sign3A_378 = arith.constant 0 : i32
      %sign3A_379 = arith.cmpi slt, %add3A_372, %sign3A_378 : i32
      %sign3A_380 = arith.extui %sign3A_379 : i1 to i32
      %sign3A_381 = arith.subi %sign3A_377, %sign3A_380 : i32
      %sign3A_382 = arith.constant 0 : i32
      %sign3A_383 = arith.cmpi sgt, %jit3A_373, %sign3A_382 : i32
      %sign3A_384 = arith.extui %sign3A_383 : i1 to i32
      %sign3A_385 = arith.constant 0 : i32
      %sign3A_386 = arith.cmpi slt, %jit3A_373, %sign3A_385 : i32
      %sign3A_387 = arith.extui %sign3A_386 : i1 to i32
      %sign3A_388 = arith.subi %sign3A_384, %sign3A_387 : i32
      %ne3A_389 = arith.cmpi ne, %sign3A_381, %sign3A_388 : i32
      %rem3A_390 = arith.remsi %add3A_372, %jit3A_373 : i32
      %ne3A_391 = arith.constant 0 : i32
      %ne3A_392 = arith.cmpi ne, %rem3A_390, %ne3A_391 : i32
      %and3A_393 = arith.andi %ne3A_389, %ne3A_392 : i1
      %sub3A_394 = arith.constant 1 : i32
      %sub3A_395 = arith.subi %div3A_374, %sub3A_394 : i32
      %select_n3A_396 = arith.select %and3A_393, %sub3A_395, %div3A_374 : i32
      %mul3A_397 = arith.constant 256 : i32
      %mul3A_398 = arith.muli %select_n3A_396, %mul3A_397 : i32
      %rem3A_399 = arith.constant 8 : i32
      %rem3A_400 = arith.remsi %add3A_372, %rem3A_399 : i32
      %mul3A_401 = arith.constant 32 : i32
      %mul3A_402 = arith.muli %rem3A_400, %mul3A_401 : i32
      %add3A_403 = arith.addi %mul3A_398, %mul3A_402 : i32
      %add3A_404 = arith.addi %add3A_403, %add3A : i32
      %dma_wait3A_405 = arith.constant 0 : i32
      %dma_wait3A_406 = tpu.memref_slice %arg2[%add3A_404, %dma_wait3A_405] : memref<2048x16384xf32, #tpu.memory_space<hbm>> -> memref<1x16384xf32, #tpu.memory_space<hbm>>
      %dma_wait3A_407 = tpu.memref_squeeze %dma_wait3A_406 : memref<1x16384xf32, #tpu.memory_space<hbm>> -> memref<16384xf32, #tpu.memory_space<hbm>>
      %dma_wait3A_408 = arith.constant 0 : i32
      %dma_wait3A_409 = tpu.memref_slice %arg2[%add3A_404, %dma_wait3A_408] : memref<2048x16384xf32, #tpu.memory_space<hbm>> -> memref<1x16384xf32, #tpu.memory_space<hbm>>
      %dma_wait3A_410 = tpu.memref_squeeze %dma_wait3A_409 : memref<1x16384xf32, #tpu.memory_space<hbm>> -> memref<16384xf32, #tpu.memory_space<hbm>>
      tpu.wait_dma2 semaphore(%arg17 : memref<!tpu.dma_semaphore, #tpu.memory_space<semaphore_mem>>) src(%dma_wait3A_410 : memref<16384xf32, #tpu.memory_space<hbm>>) dst(%arg9 : memref<16384xf32, #tpu.memory_space<vmem>>)
      %ge3A_411 = arith.constant 4 : i32
      %ge3A_412 = arith.cmpi sge, %add3A_372, %ge3A_411 : i32
      %convert_element_type3A_413 = arith.extui %ge3A_412 : i1 to i32
      %cond3A_414 = arith.constant 0 : i32
      %cond3A_415 = arith.cmpi ne, %convert_element_type3A_413, %cond3A_414 : i32
      scf.if %cond3A_415 {
        %dma_wait3A_432 = arith.constant 0 : i32
        %dma_wait3A_433 = tpu.memref_slice %arg4[%add3A_404, %dma_wait3A_432] : memref<2048x4096xf32, #tpu.memory_space<hbm>> -> memref<1x4096xf32, #tpu.memory_space<hbm>>
        %dma_wait3A_434 = tpu.memref_squeeze %dma_wait3A_433 : memref<1x4096xf32, #tpu.memory_space<hbm>> -> memref<4096xf32, #tpu.memory_space<hbm>>
        %dma_wait3A_435 = arith.constant 0 : i32
        %dma_wait3A_436 = tpu.memref_slice %arg4[%add3A_404, %dma_wait3A_435] : memref<2048x4096xf32, #tpu.memory_space<hbm>> -> memref<1x4096xf32, #tpu.memory_space<hbm>>
        %dma_wait3A_437 = tpu.memref_squeeze %dma_wait3A_436 : memref<1x4096xf32, #tpu.memory_space<hbm>> -> memref<4096xf32, #tpu.memory_space<hbm>>
        tpu.wait_dma2 semaphore(%arg21 : memref<!tpu.dma_semaphore, #tpu.memory_space<semaphore_mem>>) src(%arg13 : memref<4096xf32, #tpu.memory_space<vmem>>) dst(%dma_wait3A_437 : memref<4096xf32, #tpu.memory_space<hbm>>)
      } else {
      }
      %parallel_loop3A_416 = arith.constant 0 : i32
      %parallel_loop3A_417 = arith.constant 4096 : i32
      %parallel_loop3A_418 = arith.constant 16 : i32
      scf.for %parallel_loop3A_432 = %parallel_loop3A_416 to %parallel_loop3A_417 step %parallel_loop3A_418  : i32 {
        %parallel_loop3A_433 = arith.index_cast %parallel_loop3A_432 : i32 to index
        %parallel_loop3A_434 = tpu.vector_load %arg5[%parallel_loop3A_433] {strides = array<i32>} : memref<4096xi32, #tpu.memory_space<vmem>>, vector<16xi32>,
        %parallel_loop3A_435 = tpu.vector_load_idx %arg9[%parallel_loop3A_434] : memref<16384xf32, #tpu.memory_space<vmem>>[vector<16xi32>], vector<16xf32>,
        %parallel_loop3A_436 = arith.index_cast %parallel_loop3A_432 : i32 to index
        %parallel_loop3A_437 = tpu.vector_load %arg13[%parallel_loop3A_436] {strides = array<i32>} : memref<4096xf32, #tpu.memory_space<vmem>>, vector<16xf32>,
        tpu.vector_store %arg13[%parallel_loop3A_436], %parallel_loop3A_435 {strides = array<i32>} : memref<4096xf32, #tpu.memory_space<vmem>>, vector<16xf32>,
      } {sc.loop_unroll_factor = 8 : i64, sc.parallel_access}
      %dma_start3A_419 = arith.constant 0 : i32
      %dma_start3A_420 = tpu.memref_slice %arg4[%add3A_404, %dma_start3A_419] : memref<2048x4096xf32, #tpu.memory_space<hbm>> -> memref<1x4096xf32, #tpu.memory_space<hbm>>
      %dma_start3A_421 = tpu.memref_squeeze %dma_start3A_420 : memref<1x4096xf32, #tpu.memory_space<hbm>> -> memref<4096xf32, #tpu.memory_space<hbm>>
      %dma_start3A_422 = arith.constant 0 : i32
      %dma_start3A_423 = tpu.memref_slice %arg4[%add3A_404, %dma_start3A_422] : memref<2048x4096xf32, #tpu.memory_space<hbm>> -> memref<1x4096xf32, #tpu.memory_space<hbm>>
      %dma_start3A_424 = tpu.memref_squeeze %dma_start3A_423 : memref<1x4096xf32, #tpu.memory_space<hbm>> -> memref<4096xf32, #tpu.memory_space<hbm>>
      tpu.enqueue_dma source(%arg13 : memref<4096xf32, #tpu.memory_space<vmem>>) target(%dma_start3A_424 : memref<4096xf32, #tpu.memory_space<hbm>>) target_semaphore(%arg21 : memref<!tpu.dma_semaphore, #tpu.memory_space<semaphore_mem>>)
      %add3A_425 = arith.constant 4 : i32
      %add3A_426 = arith.addi %add3A_372, %add3A_425 : i32
      %lt3A_427 = arith.constant 64 : i32
      %lt3A_428 = arith.cmpi slt, %add3A_426, %lt3A_427 : i32
      %convert_element_type3A_429 = arith.extui %lt3A_428 : i1 to i32
      %cond3A_430 = arith.constant 0 : i32
      %cond3A_431 = arith.cmpi ne, %convert_element_type3A_429, %cond3A_430 : i32
      scf.if %cond3A_431 {
        %add3A_432 = arith.constant 4 : i32
        %add3A_433 = arith.addi %add3A_372, %add3A_432 : i32
        %jit3A_434 = arith.constant 8 : i32
        %div3A_435 = arith.divsi %add3A_433, %jit3A_434 : i32
        %sign3A_436 = arith.constant 0 : i32
        %sign3A_437 = arith.cmpi sgt, %add3A_433, %sign3A_436 : i32
        %sign3A_438 = arith.extui %sign3A_437 : i1 to i32
        %sign3A_439 = arith.constant 0 : i32
        %sign3A_440 = arith.cmpi slt, %add3A_433, %sign3A_439 : i32
        %sign3A_441 = arith.extui %sign3A_440 : i1 to i32
        %sign3A_442 = arith.subi %sign3A_438, %sign3A_441 : i32
        %sign3A_443 = arith.constant 0 : i32
        %sign3A_444 = arith.cmpi sgt, %jit3A_434, %sign3A_443 : i32
        %sign3A_445 = arith.extui %sign3A_444 : i1 to i32
        %sign3A_446 = arith.constant 0 : i32
        %sign3A_447 = arith.cmpi slt, %jit3A_434, %sign3A_446 : i32
        %sign3A_448 = arith.extui %sign3A_447 : i1 to i32
        %sign3A_449 = arith.subi %sign3A_445, %sign3A_448 : i32
        %ne3A_450 = arith.cmpi ne, %sign3A_442, %sign3A_449 : i32
        %rem3A_451 = arith.remsi %add3A_433, %jit3A_434 : i32
        %ne3A_452 = arith.constant 0 : i32
        %ne3A_453 = arith.cmpi ne, %rem3A_451, %ne3A_452 : i32
        %and3A_454 = arith.andi %ne3A_450, %ne3A_453 : i1
        %sub3A_455 = arith.constant 1 : i32
        %sub3A_456 = arith.subi %div3A_435, %sub3A_455 : i32
        %select_n3A_457 = arith.select %and3A_454, %sub3A_456, %div3A_435 : i32
        %mul3A_458 = arith.constant 256 : i32
        %mul3A_459 = arith.muli %select_n3A_457, %mul3A_458 : i32
        %rem3A_460 = arith.constant 8 : i32
        %rem3A_461 = arith.remsi %add3A_433, %rem3A_460 : i32
        %mul3A_462 = arith.constant 32 : i32
        %mul3A_463 = arith.muli %rem3A_461, %mul3A_462 : i32
        %add3A_464 = arith.addi %mul3A_459, %mul3A_463 : i32
        %add3A_465 = arith.addi %add3A_464, %add3A : i32
        %dma_start3A_466 = arith.constant 0 : i32
        %dma_start3A_467 = tpu.memref_slice %arg2[%add3A_465, %dma_start3A_466] : memref<2048x16384xf32, #tpu.memory_space<hbm>> -> memref<1x16384xf32, #tpu.memory_space<hbm>>
        %dma_start3A_468 = tpu.memref_squeeze %dma_start3A_467 : memref<1x16384xf32, #tpu.memory_space<hbm>> -> memref<16384xf32, #tpu.memory_space<hbm>>
        %dma_start3A_469 = arith.constant 0 : i32
        %dma_start3A_470 = tpu.memref_slice %arg2[%add3A_465, %dma_start3A_469] : memref<2048x16384xf32, #tpu.memory_space<hbm>> -> memref<1x16384xf32, #tpu.memory_space<hbm>>
        %dma_start3A_471 = tpu.memref_squeeze %dma_start3A_470 : memref<1x16384xf32, #tpu.memory_space<hbm>> -> memref<16384xf32, #tpu.memory_space<hbm>>
        tpu.enqueue_dma source(%dma_start3A_471 : memref<16384xf32, #tpu.memory_space<hbm>>) target(%arg9 : memref<16384xf32, #tpu.memory_space<vmem>>) target_semaphore(%arg17 : memref<!tpu.dma_semaphore, #tpu.memory_space<semaphore_mem>>)
      } else {
      }
    }
    %scan3A_156 = arith.constant 16 : i32
    %dma_wait3A = arith.constant 0 : i32
    %dma_wait3A_157 = arith.constant 0 : i32
    %dma_wait3A_158 = tpu.memref_slice %arg4[%dma_wait3A, %dma_wait3A_157] : memref<2048x4096xf32, #tpu.memory_space<hbm>> -> memref<1x4096xf32, #tpu.memory_space<hbm>>
    %dma_wait3A_159 = tpu.memref_squeeze %dma_wait3A_158 : memref<1x4096xf32, #tpu.memory_space<hbm>> -> memref<4096xf32, #tpu.memory_space<hbm>>
    %dma_wait3A_160 = arith.constant 0 : i32
    %dma_wait3A_161 = tpu.memref_slice %arg4[%dma_wait3A, %dma_wait3A_160] : memref<2048x4096xf32, #tpu.memory_space<hbm>> -> memref<1x4096xf32, #tpu.memory_space<hbm>>
    %dma_wait3A_162 = tpu.memref_squeeze %dma_wait3A_161 : memref<1x4096xf32, #tpu.memory_space<hbm>> -> memref<4096xf32, #tpu.memory_space<hbm>>
    tpu.wait_dma2 semaphore(%arg18 : memref<!tpu.dma_semaphore, #tpu.memory_space<semaphore_mem>>) src(%arg10 : memref<4096xf32, #tpu.memory_space<vmem>>) dst(%dma_wait3A_162 : memref<4096xf32, #tpu.memory_space<hbm>>)
    %dma_wait3A_163 = arith.constant 0 : i32
    %dma_wait3A_164 = arith.constant 0 : i32
    %dma_wait3A_165 = tpu.memref_slice %arg4[%dma_wait3A_163, %dma_wait3A_164] : memref<2048x4096xf32, #tpu.memory_space<hbm>> -> memref<1x4096xf32, #tpu.memory_space<hbm>>
    %dma_wait3A_166 = tpu.memref_squeeze %dma_wait3A_165 : memref<1x4096xf32, #tpu.memory_space<hbm>> -> memref<4096xf32, #tpu.memory_space<hbm>>
    %dma_wait3A_167 = arith.constant 0 : i32
    %dma_wait3A_168 = tpu.memref_slice %arg4[%dma_wait3A_163, %dma_wait3A_167] : memref<2048x4096xf32, #tpu.memory_space<hbm>> -> memref<1x4096xf32, #tpu.memory_space<hbm>>
    %dma_wait3A_169 = tpu.memref_squeeze %dma_wait3A_168 : memref<1x4096xf32, #tpu.memory_space<hbm>> -> memref<4096xf32, #tpu.memory_space<hbm>>
    tpu.wait_dma2 semaphore(%arg19 : memref<!tpu.dma_semaphore, #tpu.memory_space<semaphore_mem>>) src(%arg11 : memref<4096xf32, #tpu.memory_space<vmem>>) dst(%dma_wait3A_169 : memref<4096xf32, #tpu.memory_space<hbm>>)
    %dma_wait3A_170 = arith.constant 0 : i32
    %dma_wait3A_171 = arith.constant 0 : i32
    %dma_wait3A_172 = tpu.memref_slice %arg4[%dma_wait3A_170, %dma_wait3A_171] : memref<2048x4096xf32, #tpu.memory_space<hbm>> -> memref<1x4096xf32, #tpu.memory_space<hbm>>
    %dma_wait3A_173 = tpu.memref_squeeze %dma_wait3A_172 : memref<1x4096xf32, #tpu.memory_space<hbm>> -> memref<4096xf32, #tpu.memory_space<hbm>>
    %dma_wait3A_174 = arith.constant 0 : i32
    %dma_wait3A_175 = tpu.memref_slice %arg4[%dma_wait3A_170, %dma_wait3A_174] : memref<2048x4096xf32, #tpu.memory_space<hbm>> -> memref<1x4096xf32, #tpu.memory_space<hbm>>
    %dma_wait3A_176 = tpu.memref_squeeze %dma_wait3A_175 : memref<1x4096xf32, #tpu.memory_space<hbm>> -> memref<4096xf32, #tpu.memory_space<hbm>>
    tpu.wait_dma2 semaphore(%arg20 : memref<!tpu.dma_semaphore, #tpu.memory_space<semaphore_mem>>) src(%arg12 : memref<4096xf32, #tpu.memory_space<vmem>>) dst(%dma_wait3A_176 : memref<4096xf32, #tpu.memory_space<hbm>>)
    %dma_wait3A_177 = arith.constant 0 : i32
    %dma_wait3A_178 = arith.constant 0 : i32
    %dma_wait3A_179 = tpu.memref_slice %arg4[%dma_wait3A_177, %dma_wait3A_178] : memref<2048x4096xf32, #tpu.memory_space<hbm>> -> memref<1x4096xf32, #tpu.memory_space<hbm>>
    %dma_wait3A_180 = tpu.memref_squeeze %dma_wait3A_179 : memref<1x4096xf32, #tpu.memory_space<hbm>> -> memref<4096xf32, #tpu.memory_space<hbm>>
    %dma_wait3A_181 = arith.constant 0 : i32
    %dma_wait3A_182 = tpu.memref_slice %arg4[%dma_wait3A_177, %dma_wait3A_181] : memref<2048x4096xf32, #tpu.memory_space<hbm>> -> memref<1x4096xf32, #tpu.memory_space<hbm>>
    %dma_wait3A_183 = tpu.memref_squeeze %dma_wait3A_182 : memref<1x4096xf32, #tpu.memory_space<hbm>> -> memref<4096xf32, #tpu.memory_space<hbm>>
    tpu.wait_dma2 semaphore(%arg21 : memref<!tpu.dma_semaphore, #tpu.memory_space<semaphore_mem>>) src(%arg13 : memref<4096xf32, #tpu.memory_space<vmem>>) dst(%dma_wait3A_183 : memref<4096xf32, #tpu.memory_space<hbm>>)
    return
  }
}

</mosaic_0001>

<sc_bundles>
// kernel: kernel.3.cloned.1.call-start
scs
__scs_entry_jumppad:
0x0: {  	(pc) =	sbr.rel $0x88, $3  }
0x1: {  	(tag) =	ssettag $0x0;
	lr =	simm.s32 $0x1  }
0x2: {  	[smem:$0x3F9F] =	sst lr;
	_ =	strace $0xD0000000  }
0x3: {  	_ = 	snop  }
0x4: {  	_ = 	snop  }
0x5: {  	_ = 	snop  }
0x6: {  	_ = 	snop  }
0x7: {  	_ = 	snop  }
__scs_overlays_trampoline_lowered:
0x8: {  	[smem:$0x3FAE] =	sst s0  }
0x9: {  	[smem:$0x3FAF] =	sst s1  }
0xa: {  	[smem:$0x3FB0] =	sst s2  }
0xb: {  	[smem:$0x3FB1] =	sst s3  }
0xc: {  	[smem:$0x3FB2] =	sst s4  }
0xd: {  	[smem:$0x3FB3] =	sst s5  }
0xe: {  	[smem:$0x3FB4] =	sst s6  }
0xf: {  	[smem:$0x3FB5] =	sst s7  }
0x10: {  	[smem:$0x3FB6] =	sst s8  }
0x11: {  	[smem:$0x3FB7] =	sst s9;
	s0 =	simm.s32 @!p0 $0x0  }
0x12: {  	s1 =	sld [smem:$0x3F9D];
	s0 =	simm.s32 @p0 $0x1  }
0x13: {  	[smem:$0x3FB8] =	sst s0;
	s0 =	simm.s32 @!p1 $0x0  }
0x14: {  	s2 =	sld [smem:$0x3F9C];
	s0 =	simm.s32 @p1 $0x1  }
0x15: {  	[smem:$0x3FB9] =	sst s0;
	s0 =	simm.s32 @!p2 $0x0  }
0x16: {  	s3 =	sld [smem:$0x3FDB];
	s0 =	simm.s32 @p2 $0x1  }
0x17: {  	s4 =	simm.s32 $0x1BF5;
	[smem:$0x3FBB] =	sst s0  }
0x18: {  	s0 =	sld [smem:$0x3F9E];
	_ =	swait.ge [sflag:s4], $0x0  }
0x19: {  	s7 =	sld [smem:$0x3F9F]  }
0x1a: {  	s8 =	sadd.s32 $0xFFFFE003, lr  }
0x1b: {  	s9 =	sadd.s32 $0xFFFFFEF7, lr;
	s5 =	simm.s32 $0xFFFFFFFF;
	p2 =	slt.u32 s8, $0xFFFFF086  }
0x1c: {  	p1 =	slt.u32 s9, $0xF7A;
	s5 =	simm.s32 @!p2 $0x0  }
0x1d: {  	s5 =	simm.s32 @p1 $0x1;
	p0 =	seq.s32 s7, s2  }
0x1e: {  	s7 =	smul.u32 @!p0 $0xF7A, s2;
	p2 =	seq.s32 @!p0 s5, $0x0  }
0x1f: {  	s9 =	smul.u32 $0xF7A, s1;
	s8 =	simm.s32 @!p0 $0x1BF5;
	p2 =	por !p2, p0  }
0x20: {  	[sflag:s8] =	ssyncset.s32 @!p0 $0xFFFFF086;
	s6 =	sadd.s32 @!p0 s3, s7;
	s7 =	simm.s32 @!p0 $0x108  }
0x21: {  	s3 =	sadd.s32 s3, s9;
	s6 =	sadd.s32 @!p0 $0x88, s6;
	s7 =	simm.s32 @p2 $0x1082  }
0x22: {  	[simem:s7], [sflag:s8] =	dma.local @!p0 [hbm:s6], $0xF7A  }
0x23: {  	s9 =	sor.u32 $0xD0000000, s2;
	s6 =	simm.s32 $0x108;
	_ =	swait.ge @!p0 [sflag:s8], $0x0  }
0x24: {  	s3 =	sadd.s32 $0x88, s3;
	s6 =	simm.s32 @!p1 $0x1082;
	[sflag:s4] =	ssyncset.s32 $0xFFFFF086  }
0x25: {  	[simem:s6], [sflag:s4] =	dma.local [hbm:s3], $0xF7A  }
0x26: {  	[smem:$0x3F9F] =	sst s1;
	(tag) =	ssettag s2;
	_ =	strace s9  }
0x27: {  	s1 =	sld [smem:$0x3FAF]  }
0x28: {  	s2 =	sld [smem:$0x3FB0]  }
0x29: {  	s4 =	sld [smem:$0x3FB2]  }
0x2a: {  	p0 =	seq.s32 s5, $0x0;
	s5 =	sld [smem:$0x3FB3]  }
0x2b: {  	s6 =	sld [smem:$0x3FB4]  }
0x2c: {  	s7 =	sld [smem:$0x3FB5]  }
0x2d: {  	s3 =	simm.s32 $0x108;
	s8 =	sld [smem:$0x3FB6]  }
0x2e: {  	s3 =	simm.s32 @!p0 $0x1082;
	s9 =	sld [smem:$0x3FB7]  }
0x2f: {  	lr =	sadd.s32 s0, s3;
	s0 =	sld [smem:$0x3FAE]  }
0x30: {  	s3 =	sld [smem:$0x3FB1]  }
0x31: {  	[smem:$0x3FBA] =	sst s10  }
0x32: {  	s10 =	sld [smem:$0x3FB8];
	_ =	sdelay $0x3  }
0x33: {  	p0 =	seq.s32 s10, $0x1;
	s10 =	sld [smem:$0x3FBA];
	_ =	sdelay $0x3  }
0x34: {  	[smem:$0x3FBA] =	sst s10  }
0x35: {  	s10 =	sld [smem:$0x3FB9];
	_ =	sdelay $0x3  }
0x36: {  	p1 =	seq.s32 s10, $0x1;
	s10 =	sld [smem:$0x3FBA];
	_ =	sdelay $0x3  }
0x37: {  	[smem:$0x3FBA] =	sst s10  }
0x38: {  	s10 =	sld [smem:$0x3FBB]  }
0x39: {  	_ = 	snop;
	(pc) =	sbr.ind lr, $3  }
0x3a: {  	_ = 	snop  }
0x3b: {  	_ = 	snop  }
0x3c: {  	p2 =	seq.s32 s10, $0x1;
	s10 =	sld [smem:$0x3FBA]  }
0x3d: {  	_ =	shalt  }
0x3e: {  	_ =	shalt  }
0x3f: {  	_ =	shalt  }
0x40: {  	_ =	shalt  }
0x41: {  	_ =	shalt  }
0x42: {  	_ =	shalt  }
0x43: {  	_ =	shalt  }
0x44: {  	_ =	shalt  }
0x45: {  	_ =	shalt  }
0x46: {  	_ =	shalt  }
0x47: {  	_ =	shalt  }
0x48: {  	_ =	shalt  }
0x49: {  	_ =	shalt  }
0x4a: {  	_ =	shalt  }
0x4b: {  	_ =	shalt  }
0x4c: {  	_ =	shalt  }
0x4d: {  	_ =	shalt  }
0x4e: {  	_ =	shalt  }
0x4f: {  	_ =	shalt  }
0x50: {  	_ =	shalt  }
0x51: {  	_ =	shalt  }
0x52: {  	_ =	shalt  }
0x53: {  	_ =	shalt  }
0x54: {  	_ =	shalt  }
0x55: {  	_ =	shalt  }
0x56: {  	_ =	shalt  }
0x57: {  	_ =	shalt  }
0x58: {  	_ =	shalt  }
0x59: {  	_ =	shalt  }
0x5a: {  	_ =	shalt  }
0x5b: {  	_ =	shalt  }
0x5c: {  	_ =	shalt  }
0x5d: {  	_ =	shalt  }
0x5e: {  	_ =	shalt  }
0x5f: {  	_ =	shalt  }
0x60: {  	_ =	shalt  }
0x61: {  	_ =	shalt  }
0x62: {  	_ =	shalt  }
0x63: {  	_ =	shalt  }
0x64: {  	_ =	shalt  }
0x65: {  	_ =	shalt  }
0x66: {  	_ =	shalt  }
0x67: {  	_ =	shalt  }
0x68: {  	_ =	shalt  }
0x69: {  	_ =	shalt  }
0x6a: {  	_ =	shalt  }
0x6b: {  	_ =	shalt  }
0x6c: {  	_ =	shalt  }
0x6d: {  	_ =	shalt  }
0x6e: {  	_ =	shalt  }
0x6f: {  	_ =	shalt  }
0x70: {  	_ =	shalt  }
0x71: {  	_ =	shalt  }
0x72: {  	_ =	shalt  }
0x73: {  	_ =	shalt  }
0x74: {  	_ =	shalt  }
0x75: {  	_ =	shalt  }
0x76: {  	_ =	shalt  }
0x77: {  	_ =	shalt  }
0x78: {  	_ =	shalt  }
0x79: {  	_ =	shalt  }
0x7a: {  	_ =	shalt  }
0x7b: {  	_ =	shalt  }
0x7c: {  	_ =	shalt  }
0x7d: {  	_ =	shalt  }
0x7e: {  	_ =	shalt  }
0x7f: {  	_ =	shalt  }
0x80: {  	_ =	shalt  }
0x81: {  	_ =	shalt  }
0x82: {  	_ =	shalt  }
0x83: {  	_ =	shalt  }
0x84: {  	_ =	shalt  }
0x85: {  	_ =	shalt  }
0x86: {  	_ =	shalt  }
0x87: {  	_ =	shalt  }
.Lfunc_end0:
.L_simem_size_0:
called_computation_lowered:
.L_overlay_start_0:
0x88: {  	s2 =	sld [smem:$0x3FD9]  }
0x89: {  	s3 =	sld [smem:$0x3FFE];
	_ =	sdelay $0x1  }
0x8a: {  	s1 =	srdreg.scid  }
0x8b: {  	s0 =	sand.u32 $0x1, s1  }
0x8c: {  	s18 =	sshll.u32 s0, $0xA;
	s2 =	sadd.s32 s3, s2  }
0x8d: {  	s2 =	sadd.s32 s2, s18  }
0x8e: {  	[smem:$0x3FC6] =	sst s2  }
0x8f: {  	_ = 	snop  }
0x90: {  	s2 =	sld [smem:$0x3FC9]  }
0x91: {  	s19 =	sld [smem:$0x3FC8]  }
0x92: {  	s4 =	sld [smem:$0x3FD0];
	(tm) =	ssettm $0x1  }
0x93: {  	s5 =	sld [smem:$0x3FFB];
	_ =	sdelay $0x3  }
0x94: {  	_ =	strace s5  }
0x95: {  	s5 =	sld [smem:$0x3FFC];
	_ =	sdelay $0x3  }
0x96: {  	_ =	strace s5  }
0x97: {  	s5 =	sld [smem:$0x3FFD];
	_ =	sdelay $0x3  }
0x98: {  	_ =	strace s5  }
0x99: {  	_ =	strace $0x8FFFFFFF  }
0x9a: {  	s20 =	sld [smem:$0x3FDB];
	_ =	sdelay $0x1  }
0x9b: {  	s6 =	simm.s32 $_scs_section_size  }
0x9c: {  	s7 =	simm.s32 $_size__tile_overlayer_lowered;
	s8 =	simm.s32 $_tile_overlayer_lowered  }
0x9d: {  	s23 =	simm.s32 $0x1BFF;
	s22 =	sshll.u32 s8, $0x1;
	s5 =	sadd.s32 s6, s20  }
0x9e: {  	s9 =	simm.s32 $0x0;
	s21 =	sshll.u32 s7, $0x1;
	s7 =	sadd.s32 s22, s5  }
0x9f: {  	[timem:s9], [sflag:s23] =	dma.local [hbm:s7], s21  }
0xa0: {  	_ =	swait.ge [sflag:s23], s21  }
0xa1: {  	s6 =	ssub.s32 $0x0, s21;
	[sflag:s23] =	ssyncset.done $0x0  }
0xa2: {  	[sflag:s23] =	ssyncadd.s32 s6;
	_ =	sdelay $0x1  }
0xa3: {  	s24 =	simm.s32 $0x1B8B  }
0xa4: {  	_ =	swait.ge [sflag:s24], $0x1  }
0xa5: {  	[sflag:s24] =	ssyncset.done $0x0  }
0xa6: {  	s25 =	simm.s32 $0x1B8E;
	[sflag:s24] =	ssyncadd.s32 $0xFFFFFFFF  }
0xa7: {  	s26 =	simm.s32 $execute0_lowered;
	[smem:$0x3FD2] =	sst s25  }
0xa8: {  	s6 =	sshll.u32 s26, $0x1;
	_ =	strace $0x80000046;
	[dreg:$0x1] =	wrdreg $0xFFFFFFFF  }
0xa9: {  	s28 =	simm.s32 $_size_execute0_lowered;
	s5 =	sadd.s32 s5, s6;
	[dreg:$0x0] =	wrdreg $0x0  }
0xaa: {  	s6 =	sshll.u32 s28, $0x1;
	[dreg:$0x2] =	wrdreg s5  }
0xab: {  	[dreg:$0x3] =	wrdreg s6  }
0xac: {  	[dreg:$0x4] =	wrdreg $0xC0  }
0xad: {  	_ =	task [dreg:s9], $0x5FFFF  }
0xae: {  	[dreg:$0x1] =	wrdreg $0xFFFFFFFF  }
0xaf: {  	[dreg:$0x0] =	wrdreg $0x60  }
0xb0: {  	[dreg:$0x2] =	wrdreg s2  }
0xb1: {  	[dreg:$0x3] =	wrdreg s19  }
0xb2: {  	[dreg:$0x4] =	wrdreg s4  }
0xb3: {  	[dreg:$0x5] =	wrdreg $0x9  }
0xb4: {  	_ =	task.clear_ibuf [dreg:s9], $0x6FFFF;
	_ =	strace $0x90000046  }
0xb5: {  	s29 =	simm.s32 $0x9;
	_ =	strace $0x80000048  }
0xb6: {  	_ =	swait.ge [sflag:s29], $0x1  }
0xb7: {  	[sflag:s29] =	ssyncadd.s32 $0xFFFFFFFF  }
0xb8: {  	_ =	strace $0x90000048  }
0xb9: {  	_ =	sfence  }
0xba: {  	s30 =	sld [smem:$0x0];
	_ =	sdelay $0x2  }
0xbb: {  	s31 =	sshll.u32 s1, $0xD;
	s1 =	sshrl.u32 s1, $0x2  }
0xbc: {  	s3 =	sand.u32 $0x4000, s31;
	s1 =	sadd.s32 s1, s30  }
0xbd: {  	s0 =	sor.u32 s3, s0;
	s1 =	sshll.u32 s1, $0x11  }
0xbe: {  	s0 =	sor.u32 s1, s0  }
0xbf: {  	s0 =	sadd.s32 $0x8F2B, s0  }
0xc0: {  	[sflag:s0] =	ssyncadd.remote.s32 $0x1  }
0xc1: {  	_ =	sfence.sel $0xFFFF  }
0xc2: {  	[dreg:$0x0] =	wrdreg $0xFFFFFFFF;
	(pc) =	sbr.abs _section_cstart, $3  }
0xc3: {  	[dreg:$0x1] =	wrdreg $0xFFFFFFFF  }
0xc4: {  	_ =	task.clear_ibuf [dreg:s9], $0x2FFFF;
	_ =	strace $0x9FFFFFFF  }
0xc5: {  	(tm) =	ssettm $0x7FFFFFFF  }
tec
execute0_lowered:
.L_overlay_start_1:
0x0: {  	(tag) =	ssettag $0x1  }
0x1: {  	s0 =	rddreg [dreg:$0x0]  }
0x2: {  	s2 =	rddreg [dreg:$0x1];
	s1 =	srdreg.scid  }
0x3: {  	s6 =	stileid.u32;
	s4 =	rddreg [dreg:$0x2]  }
0x4: {  	s7 =	simm.s32 $0x0;
	s16 =	simm.s32 $0x80;
	s17 =	simm.s32 $0x400  }
0x5: {  	s19 =	simm.s32 $0x1000;
	s20 =	simm.s32 $0x5000;
	s21 =	simm.s32 $0x9000  }
0x6: {  	s22 =	simm.s32 $0xD000;
	s28 =	simm.s32 $0x3;
	s29 =	simm.s32 $0x7  }
0x7: {  	s30 =	simm.s32 $0x13000;
	s31 =	simm.s32 $0x4;
	s1 =	sand.u32 $0x1, s1  }
0x8: {  	s3 =	sshll.u32 s6, $0x1;
	s6 =	sshll.u32 s6, $0xC;
	[smem:$0x7FF] =	sst s7  }
0x9: {  	s5 =	sor.u32 s1, s3;
	s1 =	ssub.s32 $0x2, s1;
	_ =	strace $0x80000047  }
0xa: {  	s12 =	sor.u32 $0x40000, s6;
	s13 =	sor.u32 $0x50000, s6;
	s14 =	sor.u32 $0x60000, s6  }
0xb: {  	s15 =	sor.u32 $0x70000, s6;
	s5 =	sshll.u32 s5, $0x4;
	s8 =	sshrl.u32 s1, $0x1  }
0xc: {  	s23 =	sor.u32 s6, s5;
	s1 =	ssub.s32 s1, s8;
	s5 =	sand.u32 $0x70, s5  }
0xd: {  	s7 =	sand.u32 $0xC070, s23;
	s9 =	sadd.s32 s4, s5;
	s26 =	smax.u32 s1, $0x1  }
0xe: {  	s10 =	sadd.s32 s0, s5;
	s7 =	sadd.s32 s0, s7;
	[dreg:$0x8] =	wrdreg s26  }
.Ltmp0:
0xf: {  	s24 =	sadd.s32 $0x10000, s7;
	[dreg:$0x4] =	wrdreg s7;
	(pc) =	sbr.rel .LBB2_1-.Ltmp0, $4  }
0x10: {  	s23 =	simm.s32 $0x1;
	s25 =	sadd.s32 $0x20000, s7;
	[dreg:$0x5] =	wrdreg s24  }
0x11: {  	s1 =	simm.s32 $0x8;
	s7 =	sadd.s32 $0x30000, s7;
	[dreg:$0x6] =	wrdreg s25  }
0x12: {  	s26 =	simm.s32 $0x12000;
	s0 =	simm.s32 $0x14000;
	[dreg:$0x7] =	wrdreg s7  }
0x13: {  	s24 =	simm.s32 $0x11000;
	s25 =	simm.s32 $0x2;
	s7 =	simm.s32 $0x0  }
.LBB2_20:
0x14: {  	s4 =	simm.s32 $0x5  }
0x15: {  	_ =	swait.ge [sflag:s4], $0x1000  }
0x16: {  	[sflag:s4] =	ssyncset.done $0x0  }
0x17: {  	s11 =	simm.s32 $0x6;
	[sflag:s4] =	ssyncadd.s32 $0xFFFFF000  }
0x18: {  	_ =	swait.ge [sflag:s11], $0x1000  }
0x19: {  	[sflag:s11] =	ssyncset.done $0x0  }
0x1a: {  	[sflag:s11] =	ssyncadd.s32 $0xFFFFF000  }
0x1b: {  	_ =	swait.ge [sflag:s29], $0x1000  }
0x1c: {  	[sflag:s29] =	ssyncset.done $0x0  }
0x1d: {  	[sflag:s29] =	ssyncadd.s32 $0xFFFFF000  }
0x1e: {  	_ =	swait.ge [sflag:s1], $0x1000  }
0x1f: {  	s7 =	sadd.s32 $0x1, s7;
	s18 =	rddreg [dreg:$0x8]  }
0x20: {  	p0 =	sne.s32 s7, s18  }
.Ltmp1:
0x21: {  	_ = 	snop;
	(pc) =	sbr.rel @!p0 .LBB2_21-.Ltmp1, $3  }
0x22: {  	_ =	sdelay $0x1  }
0x23: {  	[sflag:s1] =	ssyncset.done $0x0  }
0x24: {  	[sflag:s1] =	ssyncadd.s32 $0xFFFFF000  }
.LBB2_1:
0x25: {  	s4 =	simm.s32 $0x0;
	s5 =	simm.s32 $0x9  }
0x26: {  	[tilespmem:s4], [sflag:$0x9] =	stream.strided.gather [hbm4b:s2+s16], $0x1000, s17, s16, $0x38;
	[tilespmem:$0x15000] =	vst v63  }
0x27: {  	_ =	swait.ge [sflag:s5], $0x1000  }
0x28: {  	[sflag:s5] =	ssyncset.done $0x0  }
0x29: {  	s6 =	rddreg [dreg:$0x4];
	[sflag:s5] =	ssyncadd.s32 $0xFFFFF000  }
0x2a: {  	[tilespmem:s19], [sflag:$0x1] =	stream.strided.gather [hbm4b:s6+s16], $0x4000, s17, s16, $0x38;
	[tilespmem:$0x15000] =	vst v63  }
0x2b: {  	s8 =	rddreg [dreg:$0x5]  }
0x2c: {  	[tilespmem:s20], [sflag:$0x2] =	stream.strided.gather [hbm4b:s8+s16], $0x4000, s17, s16, $0x38;
	[tilespmem:$0x15000] =	vst v63  }
0x2d: {  	s11 =	rddreg [dreg:$0x6]  }
0x2e: {  	[tilespmem:s21], [sflag:$0x3] =	stream.strided.gather [hbm4b:s11+s16], $0x4000, s17, s16, $0x38;
	[tilespmem:$0x15000] =	vst v63  }
0x2f: {  	s18 =	rddreg [dreg:$0x7];
	s8 =	simm.s32 $0x0  }
0x30: {  	[tilespmem:s22], [sflag:$0x4] =	stream.strided.gather [hbm4b:s18+s16], $0x4000, s17, s16, $0x38;
	[tilespmem:$0x15000] =	vst v63  }
.LBB2_2:
0x31: {  	s4 =	sand.u32 $0x1, s8  }
0x32: {  	p0 =	seq.s32 s4, $0x1  }
0x33: {  	s4 =	sshll.u32 @!p0 s8, $0x3;
	s5 =	simm.s32 @!p0 $0x80  }
0x34: {  	s6 =	simm.s32 @!p0 $0x400;
	s11 =	simm.s32 @!p0 $0x0;
	s4 =	sadd.s32 @!p0 s2, s4  }
0x35: {  	[tilespmem:s11], [sflag:$0x9] =	stream.strided.gather @!p0 [hbm4b:s4+s5], $0x1000, s6, s5, $0x38;
	[tilespmem:$0x15000] =	vst v63  }
0x36: {  	s4 =	simm.s32 @!p0 $0x9  }
0x37: {  	_ =	swait.ge @!p0 [sflag:s4], $0x1000  }
0x38: {  	[sflag:s4] =	ssyncset.done @!p0 $0x0  }
0x39: {  	[sflag:s4] =	ssyncadd.s32 @!p0 $0xFFFFF000  }
0x3a: {  	_ =	swait.ge [sflag:s23], $0x4000  }
0x3b: {  	p1 =	seq.s32 s8, $0x0;
	[sflag:s23] =	ssyncset.done $0x0  }
0x3c: {  	s4 =	simm.s32 @!p1 $0x5;
	[sflag:s23] =	ssyncadd.s32 $0xFFFFC000  }
0x3d: {  	_ =	swait.ge @!p1 [sflag:s4], $0x1000  }
0x3e: {  	[sflag:s4] =	ssyncset.done @!p1 $0x0  }
0x3f: {  	s18 =	simm.s32 $0x40;
	[sflag:s4] =	ssyncadd.s32 @!p1 $0xFFFFF000  }
0x40: {  	v0 =	vld [tilespmem:s18+$0x30]  }
0x41: {  	v1 =	vld [tilespmem:s18+$0xFFFFFFD0]  }
0x42: {  	v2 =	vld [tilespmem:s18+$0xFFFFFFE0]  }
0x43: {  	v3 =	vld [tilespmem:s18+$0xFFFFFFF0]  }
0x44: {  	v4 =	vld [tilespmem:s18+$0x0]  }
0x45: {  	v6 =	vld [tilespmem:s18+$0x10]  }
0x46: {  	v7 =	vld [tilespmem:s18+$0x20]  }
0x47: {  	v8 =	vld [tilespmem:s18+$0xFFFFFFC0]  }
0x48: {  	v9 =	vld.idx.msk [tilespmem:v0+s19+$0x0], $0xffff  }
0x49: {  	v10 =	vld.idx.msk [tilespmem:v1+s19+$0x0], $0xffff  }
0x4a: {  	v5 =	vld.idx.msk [tilespmem:v2+s19+$0x0], $0xffff  }
0x4b: {  	v3 =	vld.idx.msk [tilespmem:v3+s19+$0x0], $0xffff  }
0x4c: {  	v0 =	vld.idx.msk [tilespmem:v4+s19+$0x0], $0xffff  }
0x4d: {  	s5 =	simm.s32 $0x11040;
	v1 =	vld.idx.msk [tilespmem:v6+s19+$0x0], $0xffff  }
0x4e: {  	s11 =	sshll.u32 s8, $0x7;
	v2 =	vld.idx.msk [tilespmem:v7+s19+$0x0], $0xffff;
	[tilespmem:s5+$0x30] =	vst v9  }
0x4f: {  	s6 =	simm.s32 $0xC0;
	s4 =	simm.s32 $0x0;
	s18 =	sor.u32 s3, s11;
	v4 =	vld.idx.msk [tilespmem:v8+s19+$0x0], $0xffff;
	[tilespmem:s5+$0xFFFFFFD0] =	vst v10  }
.LBB2_3:
0x50: {  	v6 =	vld [tilespmem:s6+$0x30];
	s4 =	sadd.s32 $0x80, s4;
	[tilespmem:s5+$0xFFFFFFE0] =	vst v5  }
0x51: {  	v5 =	vld [tilespmem:s6+$0xFFFFFFD0];
	p0 =	slt.u32 s4, $0xF80;
	[tilespmem:s5+$0xFFFFFFF0] =	vst v3  }
0x52: {  	v3 =	vld [tilespmem:s6+$0xFFFFFFE0];
	[tilespmem:s5+$0x0] =	vst v0  }
0x53: {  	v0 =	vld [tilespmem:s6+$0xFFFFFFF0];
	[tilespmem:s5+$0x10] =	vst v1  }
0x54: {  	v1 =	vld [tilespmem:s6+$0x0];
	[tilespmem:s5+$0x20] =	vst v2  }
0x55: {  	v2 =	vld [tilespmem:s6+$0x10];
	[tilespmem:s5+$0xFFFFFFC0] =	vst v4  }
0x56: {  	v4 =	vld [tilespmem:s6+$0x20]  }
0x57: {  	v7 =	vld [tilespmem:s6+$0xFFFFFFC0]  }
0x58: {  	v6 =	vld.idx.msk [tilespmem:v6+s19+$0x0], $0xffff  }
0x59: {  	v8 =	vld.idx.msk [tilespmem:v5+s19+$0x0], $0xffff  }
0x5a: {  	v5 =	vld.idx.msk [tilespmem:v3+s19+$0x0], $0xffff  }
.Ltmp2:
0x5b: {  	v3 =	vld.idx.msk [tilespmem:v0+s19+$0x0], $0xffff;
	(pc) =	sbr.rel @p0 .LBB2_3-.Ltmp2, $4  }
0x5c: {  	v0 =	vld.idx.msk [tilespmem:v1+s19+$0x0], $0xffff  }
0x5d: {  	s5 =	sadd.s32 $0x80, s5;
	v1 =	vld.idx.msk [tilespmem:v2+s19+$0x0], $0xffff  }
0x5e: {  	v2 =	vld.idx.msk [tilespmem:v4+s19+$0x0], $0xffff;
	[tilespmem:s5+$0x30] =	vst v6  }
0x5f: {  	s6 =	sadd.s32 $0x80, s6;
	v4 =	vld.idx.msk [tilespmem:v7+s19+$0x0], $0xffff;
	[tilespmem:s5+$0xFFFFFFD0] =	vst v8  }
0x60: {  	[tilespmem:s5+$0xFFFFFFE0] =	vst v5  }
0x61: {  	[tilespmem:s5+$0xFFFFFFF0] =	vst v3  }
0x62: {  	[tilespmem:s5+$0x0] =	vst v0  }
0x63: {  	s4 =	sshll.u32 s18, $0x9;
	[tilespmem:s5+$0x10] =	vst v1  }
0x64: {  	s4 =	sand.u32 $0xF3000, s4;
	[tilespmem:s5+$0x20] =	vst v2  }
0x65: {  	p0 =	seq.s32 s8, $0xF;
	s4 =	sadd.s32 s4, s9;
	[tilespmem:s5+$0xFFFFFFC0] =	vst v4  }
0x66: {  	[hbm4b:s4+s16] =	stream.strided.scatter [tilespmem:s24], [sflag:$0x5], $0x1000, s17, s16, $0x38;
	[tilespmem:$0x15000] =	vst v63  }
0x67: {  	s4 =	sshll.u32 @!p0 s8, $0x12  }
0x68: {  	s4 =	sadd.s32 @!p0 s12, s4  }
0x69: {  	s6 =	simm.s32 @!p0 $0x400;
	s4 =	sand.u32 @!p0 $0x7CC000, s4  }
0x6a: {  	s18 =	simm.s32 @!p0 $0x1000;
	s5 =	simm.s32 @!p0 $0x80;
	s4 =	sadd.s32 @!p0 s4, s10  }
0x6b: {  	[tilespmem:s18], [sflag:$0x1] =	stream.strided.gather @!p0 [hbm4b:s4+s5], $0x4000, s6, s5, $0x38;
	[tilespmem:$0x15000] =	vst v63  }
0x6c: {  	_ =	swait.ge [sflag:s25], $0x4000  }
0x6d: {  	[sflag:s25] =	ssyncset.done $0x0  }
0x6e: {  	s4 =	simm.s32 @!p1 $0x6;
	[sflag:s25] =	ssyncadd.s32 $0xFFFFC000  }
0x6f: {  	_ =	swait.ge @!p1 [sflag:s4], $0x1000  }
0x70: {  	[sflag:s4] =	ssyncset.done @!p1 $0x0  }
0x71: {  	s6 =	simm.s32 $0x40;
	[sflag:s4] =	ssyncadd.s32 @!p1 $0xFFFFF000  }
0x72: {  	v0 =	vld [tilespmem:s6+$0x30]  }
0x73: {  	v1 =	vld [tilespmem:s6+$0xFFFFFFD0]  }
0x74: {  	v2 =	vld [tilespmem:s6+$0xFFFFFFE0]  }
0x75: {  	v3 =	vld [tilespmem:s6+$0xFFFFFFF0]  }
0x76: {  	v4 =	vld [tilespmem:s6+$0x0]  }
0x77: {  	v6 =	vld [tilespmem:s6+$0x10]  }
0x78: {  	v7 =	vld [tilespmem:s6+$0x20]  }
0x79: {  	v8 =	vld [tilespmem:s6+$0xFFFFFFC0]  }
0x7a: {  	v9 =	vld.idx.msk [tilespmem:v0+s20+$0x0], $0xffff  }
0x7b: {  	v10 =	vld.idx.msk [tilespmem:v1+s20+$0x0], $0xffff  }
0x7c: {  	v5 =	vld.idx.msk [tilespmem:v2+s20+$0x0], $0xffff  }
0x7d: {  	v3 =	vld.idx.msk [tilespmem:v3+s20+$0x0], $0xffff  }
0x7e: {  	v2 =	vld.idx.msk [tilespmem:v4+s20+$0x0], $0xffff  }
0x7f: {  	s5 =	simm.s32 $0x12040;
	v0 =	vld.idx.msk [tilespmem:v6+s20+$0x0], $0xffff  }
0x80: {  	s18 =	sand.u32 $0x780, s11;
	v1 =	vld.idx.msk [tilespmem:v7+s20+$0x0], $0xffff;
	[tilespmem:s5+$0x30] =	vst v9  }
0x81: {  	s11 =	sor.u32 s18, s3;
	s4 =	simm.s32 $0x0;
	s6 =	simm.s32 $0xC0;
	v4 =	vld.idx.msk [tilespmem:v8+s20+$0x0], $0xffff;
	[tilespmem:s5+$0xFFFFFFD0] =	vst v10  }
.LBB2_5:
0x82: {  	v6 =	vld [tilespmem:s6+$0x30];
	s4 =	sadd.s32 $0x80, s4;
	[tilespmem:s5+$0xFFFFFFE0] =	vst v5  }
0x83: {  	v5 =	vld [tilespmem:s6+$0xFFFFFFD0];
	p2 =	slt.u32 s4, $0xF80;
	[tilespmem:s5+$0xFFFFFFF0] =	vst v3  }
0x84: {  	v3 =	vld [tilespmem:s6+$0xFFFFFFE0];
	[tilespmem:s5+$0x0] =	vst v2  }
0x85: {  	v2 =	vld [tilespmem:s6+$0xFFFFFFF0];
	[tilespmem:s5+$0x10] =	vst v0  }
0x86: {  	v0 =	vld [tilespmem:s6+$0x0];
	[tilespmem:s5+$0x20] =	vst v1  }
0x87: {  	v1 =	vld [tilespmem:s6+$0x10];
	[tilespmem:s5+$0xFFFFFFC0] =	vst v4  }
0x88: {  	v4 =	vld [tilespmem:s6+$0x20]  }
0x89: {  	v7 =	vld [tilespmem:s6+$0xFFFFFFC0]  }
0x8a: {  	v6 =	vld.idx.msk [tilespmem:v6+s20+$0x0], $0xffff  }
0x8b: {  	v8 =	vld.idx.msk [tilespmem:v5+s20+$0x0], $0xffff  }
0x8c: {  	v5 =	vld.idx.msk [tilespmem:v3+s20+$0x0], $0xffff  }
.Ltmp3:
0x8d: {  	v3 =	vld.idx.msk [tilespmem:v2+s20+$0x0], $0xffff;
	(pc) =	sbr.rel @p2 .LBB2_5-.Ltmp3, $4  }
0x8e: {  	v2 =	vld.idx.msk [tilespmem:v0+s20+$0x0], $0xffff  }
0x8f: {  	s5 =	sadd.s32 $0x80, s5;
	v0 =	vld.idx.msk [tilespmem:v1+s20+$0x0], $0xffff  }
0x90: {  	v1 =	vld.idx.msk [tilespmem:v4+s20+$0x0], $0xffff;
	[tilespmem:s5+$0x30] =	vst v6  }
0x91: {  	s6 =	sadd.s32 $0x80, s6;
	v4 =	vld.idx.msk [tilespmem:v7+s20+$0x0], $0xffff;
	[tilespmem:s5+$0xFFFFFFD0] =	vst v8  }
0x92: {  	[tilespmem:s5+$0xFFFFFFE0] =	vst v5  }
0x93: {  	[tilespmem:s5+$0xFFFFFFF0] =	vst v3;
	p2 =	sne.s32 s8, $0xF  }
.Ltmp4:
0x94: {  	s4 =	sshll.u32 s11, $0x9;
	[tilespmem:s5+$0x0] =	vst v2;
	(pc) =	sbr.rel @p2 .LBB2_8-.Ltmp4, $4  }
0x95: {  	s4 =	sand.u32 $0xF3000, s4;
	[tilespmem:s5+$0x10] =	vst v0  }
0x96: {  	s11 =	sadd.s32 s4, s9;
	[tilespmem:s5+$0x20] =	vst v1  }
0x97: {  	s4 =	sadd.s32 $0x4000, s11;
	[tilespmem:s5+$0xFFFFFFC0] =	vst v4  }
0x98: {  	[hbm4b:s4+s16] =	stream.strided.scatter [tilespmem:s26], [sflag:$0x6], $0x1000, s17, s16, $0x38;
	[tilespmem:$0x15000] =	vst v63  }
.Ltmp5:
0x99: {  	(pc) =	sbr.rel .LBB2_9-.Ltmp5, $4  }
0x9a: {  	_ = 	snop  }
0x9b: {  	_ =	swait.ge [sflag:s28], $0x4000  }
0x9c: {  	[sflag:s28] =	ssyncset.done $0x0  }
0x9d: {  	[sflag:s28] =	ssyncadd.s32 $0xFFFFC000  }
.LBB2_8:
0x9e: {  	s4 =	sshll.u32 s8, $0x12  }
0x9f: {  	s4 =	sadd.s32 s13, s4  }
0xa0: {  	s4 =	sand.u32 $0x7DC000, s4  }
.Ltmp6:
0xa1: {  	s4 =	sadd.s32 s4, s10;
	(pc) =	sbr.rel @p1 .LBB2_10-.Ltmp6, $4  }
0xa2: {  	[tilespmem:s20], [sflag:$0x2] =	stream.strided.gather [hbm4b:s4+s16], $0x4000, s17, s16, $0x38;
	[tilespmem:$0x15000] =	vst v63  }
0xa3: {  	_ =	swait.ge [sflag:s28], $0x4000  }
0xa4: {  	[sflag:s28] =	ssyncset.done $0x0  }
0xa5: {  	[sflag:s28] =	ssyncadd.s32 $0xFFFFC000  }
.LBB2_9:
0xa6: {  	_ =	swait.ge [sflag:s29], $0x1000  }
0xa7: {  	[sflag:s29] =	ssyncset.done $0x0  }
0xa8: {  	[sflag:s29] =	ssyncadd.s32 $0xFFFFF000  }
.LBB2_10:
0xa9: {  	s4 =	simm.s32 $0x40  }
0xaa: {  	v0 =	vld [tilespmem:s4+$0x30]  }
0xab: {  	v1 =	vld [tilespmem:s4+$0xFFFFFFD0]  }
0xac: {  	v2 =	vld [tilespmem:s4+$0xFFFFFFE0]  }
0xad: {  	v3 =	vld [tilespmem:s4+$0xFFFFFFF0]  }
0xae: {  	v4 =	vld [tilespmem:s4+$0x0]  }
0xaf: {  	v6 =	vld [tilespmem:s4+$0x10]  }
0xb0: {  	v7 =	vld [tilespmem:s4+$0x20]  }
0xb1: {  	v8 =	vld [tilespmem:s4+$0xFFFFFFC0]  }
0xb2: {  	v9 =	vld.idx.msk [tilespmem:v0+s21+$0x0], $0xffff  }
0xb3: {  	v10 =	vld.idx.msk [tilespmem:v1+s21+$0x0], $0xffff  }
0xb4: {  	v5 =	vld.idx.msk [tilespmem:v2+s21+$0x0], $0xffff  }
0xb5: {  	v3 =	vld.idx.msk [tilespmem:v3+s21+$0x0], $0xffff  }
0xb6: {  	v0 =	vld.idx.msk [tilespmem:v4+s21+$0x0], $0xffff  }
0xb7: {  	s5 =	simm.s32 $0x13040;
	v1 =	vld.idx.msk [tilespmem:v6+s21+$0x0], $0xffff  }
0xb8: {  	v2 =	vld.idx.msk [tilespmem:v7+s21+$0x0], $0xffff;
	[tilespmem:s5+$0x30] =	vst v9  }
0xb9: {  	s6 =	simm.s32 $0xC0;
	s4 =	simm.s32 $0x0;
	v4 =	vld.idx.msk [tilespmem:v8+s21+$0x0], $0xffff;
	[tilespmem:s5+$0xFFFFFFD0] =	vst v10  }
.LBB2_11:
0xba: {  	v6 =	vld [tilespmem:s6+$0x30];
	s4 =	sadd.s32 $0x80, s4;
	[tilespmem:s5+$0xFFFFFFE0] =	vst v5  }
0xbb: {  	v5 =	vld [tilespmem:s6+$0xFFFFFFD0];
	p3 =	slt.u32 s4, $0xF80;
	[tilespmem:s5+$0xFFFFFFF0] =	vst v3  }
0xbc: {  	v3 =	vld [tilespmem:s6+$0xFFFFFFE0];
	[tilespmem:s5+$0x0] =	vst v0  }
0xbd: {  	v0 =	vld [tilespmem:s6+$0xFFFFFFF0];
	[tilespmem:s5+$0x10] =	vst v1  }
0xbe: {  	v1 =	vld [tilespmem:s6+$0x0];
	[tilespmem:s5+$0x20] =	vst v2  }
0xbf: {  	v2 =	vld [tilespmem:s6+$0x10];
	[tilespmem:s5+$0xFFFFFFC0] =	vst v4  }
0xc0: {  	v4 =	vld [tilespmem:s6+$0x20]  }
0xc1: {  	v7 =	vld [tilespmem:s6+$0xFFFFFFC0]  }
0xc2: {  	v6 =	vld.idx.msk [tilespmem:v6+s21+$0x0], $0xffff  }
0xc3: {  	v8 =	vld.idx.msk [tilespmem:v5+s21+$0x0], $0xffff  }
0xc4: {  	v5 =	vld.idx.msk [tilespmem:v3+s21+$0x0], $0xffff  }
.Ltmp7:
0xc5: {  	v3 =	vld.idx.msk [tilespmem:v0+s21+$0x0], $0xffff;
	(pc) =	sbr.rel @p3 .LBB2_11-.Ltmp7, $4  }
0xc6: {  	v0 =	vld.idx.msk [tilespmem:v1+s21+$0x0], $0xffff  }
0xc7: {  	s5 =	sadd.s32 $0x80, s5;
	v1 =	vld.idx.msk [tilespmem:v2+s21+$0x0], $0xffff  }
0xc8: {  	v2 =	vld.idx.msk [tilespmem:v4+s21+$0x0], $0xffff;
	[tilespmem:s5+$0x30] =	vst v6  }
0xc9: {  	s6 =	sadd.s32 $0x80, s6;
	v4 =	vld.idx.msk [tilespmem:v7+s21+$0x0], $0xffff;
	[tilespmem:s5+$0xFFFFFFD0] =	vst v8  }
0xca: {  	[tilespmem:s5+$0xFFFFFFE0] =	vst v5  }
0xcb: {  	[tilespmem:s5+$0xFFFFFFF0] =	vst v3  }
.Ltmp8:
0xcc: {  	[tilespmem:s5+$0x0] =	vst v0;
	(pc) =	sbr.rel @p2 .LBB2_14-.Ltmp8, $4  }
0xcd: {  	[tilespmem:s5+$0x10] =	vst v1  }
0xce: {  	[tilespmem:s5+$0x20] =	vst v2  }
0xcf: {  	s4 =	sadd.s32 $0x8000, s11;
	[tilespmem:s5+$0xFFFFFFC0] =	vst v4  }
0xd0: {  	[hbm4b:s4+s16] =	stream.strided.scatter [tilespmem:s30], [sflag:$0x7], $0x1000, s17, s16, $0x38;
	[tilespmem:$0x15000] =	vst v63  }
.Ltmp9:
0xd1: {  	(pc) =	sbr.rel .LBB2_15-.Ltmp9, $4  }
0xd2: {  	_ = 	snop  }
0xd3: {  	_ =	swait.ge [sflag:s31], $0x4000  }
0xd4: {  	[sflag:s31] =	ssyncset.done $0x0  }
0xd5: {  	[sflag:s31] =	ssyncadd.s32 $0xFFFFC000  }
.LBB2_14:
0xd6: {  	s4 =	sshll.u32 s8, $0x12  }
0xd7: {  	s4 =	sadd.s32 s14, s4  }
0xd8: {  	s4 =	sand.u32 $0x7EC000, s4  }
.Ltmp10:
0xd9: {  	s4 =	sadd.s32 s4, s10;
	(pc) =	sbr.rel @p1 .LBB2_16-.Ltmp10, $4  }
0xda: {  	[tilespmem:s21], [sflag:$0x3] =	stream.strided.gather [hbm4b:s4+s16], $0x4000, s17, s16, $0x38;
	[tilespmem:$0x15000] =	vst v63  }
0xdb: {  	_ =	swait.ge [sflag:s31], $0x4000  }
0xdc: {  	[sflag:s31] =	ssyncset.done $0x0  }
0xdd: {  	[sflag:s31] =	ssyncadd.s32 $0xFFFFC000  }
.LBB2_15:
0xde: {  	_ =	swait.ge [sflag:s1], $0x1000  }
0xdf: {  	[sflag:s1] =	ssyncset.done $0x0  }
0xe0: {  	[sflag:s1] =	ssyncadd.s32 $0xFFFFF000  }
.LBB2_16:
0xe1: {  	s4 =	simm.s32 $0x40  }
0xe2: {  	v0 =	vld [tilespmem:s4+$0x30]  }
0xe3: {  	v1 =	vld [tilespmem:s4+$0xFFFFFFD0]  }
0xe4: {  	v2 =	vld [tilespmem:s4+$0xFFFFFFE0]  }
0xe5: {  	v3 =	vld [tilespmem:s4+$0xFFFFFFF0]  }
0xe6: {  	v4 =	vld [tilespmem:s4+$0x0]  }
0xe7: {  	v6 =	vld [tilespmem:s4+$0x10]  }
0xe8: {  	v7 =	vld [tilespmem:s4+$0x20]  }
0xe9: {  	v8 =	vld [tilespmem:s4+$0xFFFFFFC0]  }
0xea: {  	v9 =	vld.idx.msk [tilespmem:v0+s22+$0x0], $0xffff  }
0xeb: {  	v10 =	vld.idx.msk [tilespmem:v1+s22+$0x0], $0xffff  }
0xec: {  	v5 =	vld.idx.msk [tilespmem:v2+s22+$0x0], $0xffff  }
0xed: {  	v3 =	vld.idx.msk [tilespmem:v3+s22+$0x0], $0xffff  }
0xee: {  	v0 =	vld.idx.msk [tilespmem:v4+s22+$0x0], $0xffff  }
0xef: {  	s5 =	simm.s32 $0x14040;
	v1 =	vld.idx.msk [tilespmem:v6+s22+$0x0], $0xffff  }
0xf0: {  	v2 =	vld.idx.msk [tilespmem:v7+s22+$0x0], $0xffff;
	[tilespmem:s5+$0x30] =	vst v9  }
0xf1: {  	s6 =	simm.s32 $0xC0;
	s4 =	simm.s32 $0x0;
	v4 =	vld.idx.msk [tilespmem:v8+s22+$0x0], $0xffff;
	[tilespmem:s5+$0xFFFFFFD0] =	vst v10  }
.LBB2_17:
0xf2: {  	v6 =	vld [tilespmem:s6+$0x30];
	s4 =	sadd.s32 $0x80, s4;
	[tilespmem:s5+$0xFFFFFFE0] =	vst v5  }
0xf3: {  	v5 =	vld [tilespmem:s6+$0xFFFFFFD0];
	p1 =	slt.u32 s4, $0xF80;
	[tilespmem:s5+$0xFFFFFFF0] =	vst v3  }
0xf4: {  	v3 =	vld [tilespmem:s6+$0xFFFFFFE0];
	[tilespmem:s5+$0x0] =	vst v0  }
0xf5: {  	v0 =	vld [tilespmem:s6+$0xFFFFFFF0];
	[tilespmem:s5+$0x10] =	vst v1  }
0xf6: {  	v1 =	vld [tilespmem:s6+$0x0];
	[tilespmem:s5+$0x20] =	vst v2  }
0xf7: {  	v2 =	vld [tilespmem:s6+$0x10];
	[tilespmem:s5+$0xFFFFFFC0] =	vst v4  }
0xf8: {  	v4 =	vld [tilespmem:s6+$0x20]  }
0xf9: {  	v7 =	vld [tilespmem:s6+$0xFFFFFFC0]  }
0xfa: {  	v6 =	vld.idx.msk [tilespmem:v6+s22+$0x0], $0xffff  }
0xfb: {  	v8 =	vld.idx.msk [tilespmem:v5+s22+$0x0], $0xffff  }
0xfc: {  	v5 =	vld.idx.msk [tilespmem:v3+s22+$0x0], $0xffff  }
.Ltmp11:
0xfd: {  	v3 =	vld.idx.msk [tilespmem:v0+s22+$0x0], $0xffff;
	(pc) =	sbr.rel @p1 .LBB2_17-.Ltmp11, $4  }
0xfe: {  	v0 =	vld.idx.msk [tilespmem:v1+s22+$0x0], $0xffff  }
0xff: {  	s5 =	sadd.s32 $0x80, s5;
	v1 =	vld.idx.msk [tilespmem:v2+s22+$0x0], $0xffff  }
0x100: {  	v2 =	vld.idx.msk [tilespmem:v4+s22+$0x0], $0xffff;
	[tilespmem:s5+$0x30] =	vst v6  }
0x101: {  	s6 =	sadd.s32 $0x80, s6;
	v4 =	vld.idx.msk [tilespmem:v7+s22+$0x0], $0xffff;
	[tilespmem:s5+$0xFFFFFFD0] =	vst v8  }
0x102: {  	[tilespmem:s5+$0xFFFFFFE0] =	vst v5  }
0x103: {  	[tilespmem:s5+$0xFFFFFFF0] =	vst v3  }
.Ltmp12:
0x104: {  	[tilespmem:s5+$0x0] =	vst v0;
	(pc) =	sbr.rel @p0 .LBB2_20-.Ltmp12, $4  }
0x105: {  	[tilespmem:s5+$0x10] =	vst v1  }
0x106: {  	[tilespmem:s5+$0x20] =	vst v2  }
0x107: {  	s4 =	sadd.s32 $0xC000, s11;
	[tilespmem:s5+$0xFFFFFFC0] =	vst v4  }
0x108: {  	[hbm4b:s4+s16] =	stream.strided.scatter [tilespmem:s0], [sflag:$0x8], $0x1000, s17, s16, $0x38;
	[tilespmem:$0x15000] =	vst v63  }
.Ltmp13:
0x109: {  	s4 =	sshll.u32 s8, $0x12;
	(pc) =	sbr.rel .LBB2_2-.Ltmp13, $4  }
0x10a: {  	s4 =	sadd.s32 s15, s4  }
0x10b: {  	s4 =	sand.u32 $0x7FC000, s4  }
0x10c: {  	s8 =	sadd.s32 $0x1, s8;
	s4 =	sadd.s32 s4, s10  }
0x10d: {  	[tilespmem:s22], [sflag:$0x4] =	stream.strided.gather [hbm4b:s4+s16], $0x4000, s17, s16, $0x38;
	[tilespmem:$0x15000] =	vst v63  }
.LBB2_21:
0x10e: {  	_ =	sfence.sel $0x180000  }
0x10f: {  	[bflag:$0x0] =	sbarrier.arrive $0xFFFF  }
0x110: {  	_ =	strace $0x90000047  }
0x111: {  	s0 =	stileid.u32;
	[bflag:$0x2] =	sbarrier.arrive $0xFFFF  }
0x112: {  	p0 =	sne.s32 s0, $0x0;
	s0 =	rddreg [dreg:$0x3]  }
0x113: {  	s0 =	sadd.s32 @!p0 $0x100000, s0  }
0x114: {  	[sflag:s0] =	ssyncadd.tile.s32 @!p0 $0x1;
	_ =	shalt  }
.Lfunc_end2:
_tile_overlayer_lowered:
.L_overlay_start_2:
0x115: {  	(tag) =	ssettag $0x2  }
0x116: {  	s0 =	rddreg [dreg:$0x0];
	s2 =	stileid.u32  }
0x117: {  	s1 =	rddreg [dreg:$0x1];
	p0 =	sne.s32 s2, $0x0  }
0x118: {  	s3 =	rddreg [dreg:$0x2];
	[bflag:$0x3] =	sbarrier.arrive $0xFFFF;
	s2 =	simm.s32 @!p0 $0x1C09  }
0x119: {  	[timem:s3], [sflag:s2] =	dma.local @!p0 [hbm:s0], s1  }
0x11a: {  	s0 =	simm.s32 @!p0 $0x9  }
0x11b: {  	_ =	swait.ge @!p0 [sflag:s0], s1  }
0x11c: {  	s1 =	ssub.s32 @!p0 $0x0, s1;
	[sflag:s0] =	ssyncset.done @!p0 $0x0  }
0x11d: {  	[sflag:s0] =	ssyncadd.s32 @!p0 s1  }
0x11e: {  	[bflag:$0x3] =	sbarrier.arrive $0xFFFF  }
0x11f: {  	_ =	shalt  }

</sc_bundles>
